<compile_context>
chip_gen: v7x
topology: tpu7x:2x2x1
jax: 0.10.2.dev20260603
libtpu: 0.0.44.dev20260713+nightly
codegen_flags: <defaults>
</compile_context>

<pallas_src>
import functools

import jax
import jax.numpy as jnp
from jax import lax
from jax.experimental import pallas as pl
from jax.experimental.pallas import tpu as pltpu
from jax.experimental.pallas import tpu_sc as plsc

N_EXPERTS = 64
PD = 128
TB = 256
BR = 512


def _router_body(x_ref, wg_ref, bg_ref, p_ref, idx_ref):
    x = x_ref[...]
    wg = wg_ref[...]
    logits = lax.dot_general(x, wg, (((1,), (1,)), ((), ())),
                             preferred_element_type=jnp.float32)
    logits = logits + bg_ref[...]
    m = jnp.max(logits, axis=1, keepdims=True)
    ids = lax.broadcasted_iota(jnp.int32, logits.shape, 1)
    amax = jnp.min(jnp.where(logits == m, ids, N_EXPERTS), axis=1,
                   keepdims=True)
    denom = jnp.sum(jnp.exp(logits - m), axis=1, keepdims=True)
    p = 1.0 / denom
    p_ref[...] = jnp.broadcast_to(p, p_ref.shape)
    idx_ref[...] = jnp.broadcast_to(amax, idx_ref.shape)


def _route(x_flat, Wg, bg):
    n, d = x_flat.shape
    e = Wg.shape[0]
    return pl.pallas_call(
        _router_body,
        grid=(n // BR,),
        in_specs=[
            pl.BlockSpec((BR, d), lambda i: (i, 0)),
            pl.BlockSpec((e, d), lambda i: (0, 0)),
            pl.BlockSpec((1, e), lambda i: (0, 0)),
        ],
        out_specs=[
            pl.BlockSpec((BR, PD), lambda i: (i, 0)),
            pl.BlockSpec((BR, PD), lambda i: (i, 0)),
        ],
        out_shape=[
            jax.ShapeDtypeStruct((n, PD), jnp.float32),
            jax.ShapeDtypeStruct((n, PD), jnp.int32),
        ],
    )(x_flat, Wg, bg.reshape(1, e))


def _sc_dispatch(x_flat, p_rep, perm):
    n, d = x_flat.shape
    pd = p_rep.shape[1]
    info = plsc.get_sparse_core_info()
    nw = info.num_cores * info.num_subcores
    bpw = n // nw
    mesh = plsc.VectorSubcoreMesh(core_axis_name="c", subcore_axis_name="s")

    @functools.partial(
        pl.kernel,
        mesh=mesh,
        out_type=[
            jax.ShapeDtypeStruct((n, d), jnp.float32),
            jax.ShapeDtypeStruct((n, pd), jnp.float32),
        ],
        scratch_types=[
            pltpu.VMEM((bpw,), jnp.int32),
            pltpu.VMEM((bpw, d), jnp.float32),
            pltpu.VMEM((bpw, pd), jnp.float32),
            pltpu.SemaphoreType.DMA,
        ],
    )
    def dispatch_k(x_hbm, p_hbm, pos_hbm, xs_hbm, ps_hbm, idx_v, xrow_v,
                   prow_v, sem):
        wid = lax.axis_index("s") * info.num_cores + lax.axis_index("c")
        base = wid * bpw
        pltpu.sync_copy(pos_hbm.at[pl.ds(base, bpw)], idx_v)
        pltpu.async_copy(x_hbm.at[idx_v], xrow_v, sem).wait()
        pltpu.async_copy(p_hbm.at[idx_v], prow_v, sem).wait()
        pltpu.sync_copy(xrow_v, xs_hbm.at[pl.ds(base, bpw)])
        pltpu.sync_copy(prow_v, ps_hbm.at[pl.ds(base, bpw)])

    return dispatch_k(x_flat, p_rep, perm)


def _sc_return(ys, perm):
    n, d = ys.shape
    info = plsc.get_sparse_core_info()
    nw = info.num_cores * info.num_subcores
    bpw = n // nw
    mesh = plsc.VectorSubcoreMesh(core_axis_name="c", subcore_axis_name="s")

    @functools.partial(
        pl.kernel,
        mesh=mesh,
        out_type=jax.ShapeDtypeStruct((n, d), jnp.float32),
        scratch_types=[
            pltpu.VMEM((bpw,), jnp.int32),
            pltpu.VMEM((bpw, d), jnp.float32),
            pltpu.SemaphoreType.DMA,
        ],
    )
    def return_k(y_hbm, pos_hbm, out_hbm, idx_v, row_v, sem):
        wid = lax.axis_index("s") * info.num_cores + lax.axis_index("c")
        base = wid * bpw
        pltpu.sync_copy(pos_hbm.at[pl.ds(base, bpw)], idx_v)
        pltpu.sync_copy(y_hbm.at[pl.ds(base, bpw)], row_v)
        pltpu.async_copy(row_v, out_hbm.at[idx_v], sem).wait()

    return return_k(ys, perm)


def _ffn_body(blk_r, exp_r, st_r, en_r, fst_r,
              xs_ref, ps_ref, w1_ref, b1_ref, w2_ref, b2_ref, out_ref):
    i = pl.program_id(0)

    @pl.when(fst_r[i] == 1)
    def _():
        out_ref[...] = jnp.zeros_like(out_ref)

    x = xs_ref[...].astype(jnp.bfloat16)
    w1 = w1_ref[0].astype(jnp.bfloat16)
    h = lax.dot_general(x, w1, (((1,), (1,)), ((), ())),
                        preferred_element_type=jnp.float32)
    h = jnp.maximum(h + b1_ref[0], 0.0)
    w2 = w2_ref[0].astype(jnp.bfloat16)
    o = lax.dot_general(h.astype(jnp.bfloat16), w2, (((1,), (1,)), ((), ())),
                        preferred_element_type=jnp.float32)
    o = o + b2_ref[0]
    rows = blk_r[i] * TB + lax.broadcasted_iota(jnp.int32, (TB, 1), 0)
    inseg = (rows >= st_r[i]) & (rows < en_r[i])
    scale = jnp.where(inseg, ps_ref[:, 0:1], 0.0)
    out_ref[...] += o * scale


def _grouped_ffn(entry_b, entry_e, entry_s, entry_t, entry_f,
                 xs, ps, W1, b1, W2, b2, ne):
    n, d = xs.shape
    e, f, _ = W1.shape
    grid_spec = pltpu.PrefetchScalarGridSpec(
        num_scalar_prefetch=5,
        grid=(ne,),
        in_specs=[
            pl.BlockSpec((TB, d), lambda i, b, ex, s, t, fr: (b[i], 0)),
            pl.BlockSpec((TB, PD), lambda i, b, ex, s, t, fr: (b[i], 0)),
            pl.BlockSpec((1, f, d), lambda i, b, ex, s, t, fr: (ex[i], 0, 0)),
            pl.BlockSpec((1, 1, f), lambda i, b, ex, s, t, fr: (ex[i], 0, 0)),
            pl.BlockSpec((1, d, f), lambda i, b, ex, s, t, fr: (ex[i], 0, 0)),
            pl.BlockSpec((1, 1, d), lambda i, b, ex, s, t, fr: (ex[i], 0, 0)),
        ],
        out_specs=pl.BlockSpec((TB, d), lambda i, b, ex, s, t, fr: (b[i], 0)),
    )
    return pl.pallas_call(
        _ffn_body,
        grid_spec=grid_spec,
        out_shape=jax.ShapeDtypeStruct((n, d), jnp.float32),
        compiler_params=pltpu.CompilerParams(
            dimension_semantics=("arbitrary",)),
    )(entry_b, entry_e, entry_s, entry_t, entry_f,
      xs, ps, W1, b1.reshape(e, 1, f), W2, b2.reshape(e, 1, d))


def _build_entries(eidx, counts, off, e_total, nb):
    ne = nb + e_total - 1
    first_blk = off[:e_total] // TB
    last_blk = (off[1:] - 1) // TB
    n_e = jnp.where(counts > 0, last_blk - first_blk + 1, 0).astype(jnp.int32)
    cum = jnp.cumsum(n_e).astype(jnp.int32)
    starts = cum - n_e
    r_total = cum[-1]
    i_arr = jnp.arange(ne, dtype=jnp.int32)
    e_i = jnp.searchsorted(cum, i_arr, side="right").astype(jnp.int32)
    valid = i_arr < r_total
    e_c = jnp.clip(e_i, 0, e_total - 1)
    pad_e = jnp.max(eidx).astype(jnp.int32)
    entry_e = jnp.where(valid, e_c, pad_e)
    entry_b = jnp.where(valid, first_blk[e_c] + (i_arr - starts[e_c]), nb - 1)
    entry_s = jnp.where(valid, off[e_c], 0)
    entry_t = jnp.where(valid, off[e_c + 1], 0)
    prev_b = jnp.concatenate([jnp.full((1,), -1, jnp.int32), entry_b[:-1]])
    entry_f = (entry_b != prev_b).astype(jnp.int32)
    return entry_b, entry_e, entry_s, entry_t, entry_f, ne


def kernel(x, Wg, bg, W1, b1, W2, b2):
    batch, seq, d = x.shape
    n = batch * seq
    nb = n // TB
    e_total = Wg.shape[0]
    x_flat = x.reshape(n, d)

    p_rep, idx_rep = _route(x_flat, Wg, bg)
    eidx = idx_rep[:, 0]
    perm = jnp.argsort(eidx).astype(jnp.int32)
    counts = jnp.bincount(eidx, length=e_total)
    off = jnp.concatenate([jnp.zeros((1,), jnp.int32),
                           jnp.cumsum(counts).astype(jnp.int32)])

    entry_b, entry_e, entry_s, entry_t, entry_f, ne = _build_entries(
        eidx, counts, off, e_total, nb)

    xs, ps = _sc_dispatch(x_flat, p_rep, perm)
    ys = _grouped_ffn(entry_b, entry_e, entry_s, entry_t, entry_f,
                      xs, ps, W1, b1, W2, b2, ne)
    out_flat = _sc_return(ys, perm)
    return out_flat.reshape(batch, seq, d)

# --- scband reference (transcript-rebuilt; emitter-appended) ---
"""Pipeline reference for scband-mo-effn-46153718563474 (READ-ONLY COPY).

The authoritative reference and input builder live on the scoring server;
editing this copy changes nothing except your own understanding.
"""

import jax, jax.numpy as jnp
import numpy as np

D_MODEL = 768
MLP_DIM = 2048
N_EXPERTS = 64
BATCH = 2
SEQ = 2048


def setup_inputs(seed: int = 0) -> dict:
    key = jax.random.key(seed)
    ks = jax.random.split(key, 7)
    x = jax.random.normal(ks[0], (BATCH, SEQ, D_MODEL), dtype=jnp.float32)
    # router: nn.Linear(d_model, n_experts)
    Wg = jax.random.normal(ks[1], (N_EXPERTS, D_MODEL), dtype=jnp.float32) * (1.0 / D_MODEL ** 0.5)
    bg = jnp.zeros((N_EXPERTS,), dtype=jnp.float32)
    # experts: Linear(d_model, mlp_dim) -> ReLU -> Linear(mlp_dim, d_model)
    scale_in = (1.0 / D_MODEL) ** 0.5
    scale_out = (1.0 / MLP_DIM) ** 0.5
    W1 = jax.random.uniform(ks[2], (N_EXPERTS, MLP_DIM, D_MODEL), dtype=jnp.float32, minval=-scale_in, maxval=scale_in)
    b1 = jnp.zeros((N_EXPERTS, MLP_DIM), dtype=jnp.float32)
    W2 = jax.random.uniform(ks[3], (N_EXPERTS, D_MODEL, MLP_DIM), dtype=jnp.float32, minval=-scale_out, maxval=scale_out)
    b2 = jnp.zeros((N_EXPERTS, D_MODEL), dtype=jnp.float32)
    return {"x": x, "Wg": Wg, "bg": bg, "W1": W1, "b1": b1, "W2": W2, "b2": b2}


def reference(x, Wg, bg, W1, b1, W2, b2):
    B, T, D = x.shape
    E = Wg.shape[0]
    x_flat = x.reshape(-1, D)
    logits = x_flat @ Wg.T + bg
    gate_probs = jax.nn.softmax(logits, axis=-1)
    route_prob_max = jnp.max(gate_probs, axis=-1)
    route_indices = jnp.argmax(gate_probs, axis=-1)

    def body(e, output):
        h = jnp.maximum(x_flat @ W1[e].T + b1[e], 0.0)
        o = h @ W2[e].T + b2[e]
        sel = (route_indices == e)[:, None]
        return jnp.where(sel, o * route_prob_max[:, None], output)

    output = jax.lax.fori_loop(0, E, body, jnp.zeros_like(x_flat))
    return output.reshape(B, T, D)

if __name__ == "__main__":
    import jax
    _d = setup_inputs()
    print(jax.jit(kernel)(*tuple(_d.values())))

</pallas_src>

<mosaic_0001>
#map = affine_map<(d0, d1) -> (0, 0)>
#map1 = affine_map<(d0, d1) -> (0)>
module attributes {stable_mosaic.version = 14 : i64} {
  func.func @return_k(%arg0: i32, %arg1: i32, %arg2: memref<4096x768xf32, #tpu.memory_space<hbm>>, %arg3: memref<4096xi32, #tpu.memory_space<hbm>>, %arg4: memref<4096x768xf32, #tpu.memory_space<hbm>>, %arg5: memref<128xi32, #tpu.memory_space<vmem>>, %arg6: memref<128x768xf32, #tpu.memory_space<vmem>>, %arg7: memref<!tpu.dma_semaphore, #tpu.memory_space<semaphore_mem>>) attributes {dimension_semantics = [#tpu.dimension_semantics<core_parallel>, #tpu.dimension_semantics<subcore_parallel>], iteration_bounds = array<i64: 2, 16>, scalar_prefetch = 0 : i64, scratch_operands = 3 : i64, tpu.core_type = #tpu.core_type<sc_vector_subcore>, window_params = [{transform_indices = #map}, {transform_indices = #map1}, {transform_indices = #map}]} {
    %mul3A = arith.constant 2 : i32
    %mul3A_0 = arith.muli %arg1, %mul3A : i32
    %add3A = arith.addi %mul3A_0, %arg0 : i32
    %mul3A_1 = arith.constant 128 : i32
    %mul3A_2 = arith.muli %add3A, %mul3A_1 : i32
    "tpu.region"() ({
      %run_scoped3A = tpu.sem_alloc : memref<!tpu.dma_semaphore, #tpu.memory_space<semaphore_mem>>
      %dma_start3A_7 = tpu.memref_slice %arg3[%mul3A_2] : memref<4096xi32, #tpu.memory_space<hbm>> -> memref<128xi32, #tpu.memory_space<hbm>>
      %dma_start3A_8 = tpu.memref_slice %arg3[%mul3A_2] : memref<4096xi32, #tpu.memory_space<hbm>> -> memref<128xi32, #tpu.memory_space<hbm>>
      tpu.enqueue_dma source(%dma_start3A_8 : memref<128xi32, #tpu.memory_space<hbm>>) target(%arg5 : memref<128xi32, #tpu.memory_space<vmem>>) target_semaphore(%run_scoped3A : memref<!tpu.dma_semaphore, #tpu.memory_space<semaphore_mem>>)
      %dma_wait3A_9 = tpu.memref_slice %arg3[%mul3A_2] : memref<4096xi32, #tpu.memory_space<hbm>> -> memref<128xi32, #tpu.memory_space<hbm>>
      %dma_wait3A_10 = tpu.memref_slice %arg3[%mul3A_2] : memref<4096xi32, #tpu.memory_space<hbm>> -> memref<128xi32, #tpu.memory_space<hbm>>
      tpu.wait_dma2 semaphore(%run_scoped3A : memref<!tpu.dma_semaphore, #tpu.memory_space<semaphore_mem>>) src(%dma_wait3A_10 : memref<128xi32, #tpu.memory_space<hbm>>) dst(%arg5 : memref<128xi32, #tpu.memory_space<vmem>>)
      tpu.yield
    }) : () -> ()
    "tpu.region"() ({
      %run_scoped3A = tpu.sem_alloc : memref<!tpu.dma_semaphore, #tpu.memory_space<semaphore_mem>>
      %dma_start3A_7 = arith.constant 0 : i32
      %dma_start3A_8 = tpu.memref_slice %arg2[%mul3A_2, %dma_start3A_7] : memref<4096x768xf32, #tpu.memory_space<hbm>> -> memref<128x768xf32, #tpu.memory_space<hbm>>
      %dma_start3A_9 = arith.constant 0 : i32
      %dma_start3A_10 = tpu.memref_slice %arg2[%mul3A_2, %dma_start3A_9] : memref<4096x768xf32, #tpu.memory_space<hbm>> -> memref<128x768xf32, #tpu.memory_space<hbm>>
      tpu.enqueue_dma source(%dma_start3A_10 : memref<128x768xf32, #tpu.memory_space<hbm>>) target(%arg6 : memref<128x768xf32, #tpu.memory_space<vmem>>) target_semaphore(%run_scoped3A : memref<!tpu.dma_semaphore, #tpu.memory_space<semaphore_mem>>)
      %dma_wait3A_11 = arith.constant 0 : i32
      %dma_wait3A_12 = tpu.memref_slice %arg2[%mul3A_2, %dma_wait3A_11] : memref<4096x768xf32, #tpu.memory_space<hbm>> -> memref<128x768xf32, #tpu.memory_space<hbm>>
      %dma_wait3A_13 = arith.constant 0 : i32
      %dma_wait3A_14 = tpu.memref_slice %arg2[%mul3A_2, %dma_wait3A_13] : memref<4096x768xf32, #tpu.memory_space<hbm>> -> memref<128x768xf32, #tpu.memory_space<hbm>>
      tpu.wait_dma2 semaphore(%run_scoped3A : memref<!tpu.dma_semaphore, #tpu.memory_space<semaphore_mem>>) src(%dma_wait3A_14 : memref<128x768xf32, #tpu.memory_space<hbm>>) dst(%arg6 : memref<128x768xf32, #tpu.memory_space<vmem>>)
      tpu.yield
    }) : () -> ()
    %dma_start3A = arith.constant 0 : i32
    %dma_start3A_3 = arith.constant 0 : i32
    %dma_start3A_4 = tpu.memref_slice %arg4[%dma_start3A, %dma_start3A_3] : memref<4096x768xf32, #tpu.memory_space<hbm>> -> memref<4096x768xf32, #tpu.memory_space<hbm>>
    tpu.enqueue_indirect_dma source(%arg6 : memref<128x768xf32, #tpu.memory_space<vmem>>) target(%dma_start3A_4 : memref<4096x768xf32, #tpu.memory_space<hbm>>) offsets(%arg5 : memref<128xi32, #tpu.memory_space<vmem>>) semaphore(%arg7 : memref<!tpu.dma_semaphore, #tpu.memory_space<semaphore_mem>>)
    %dma_wait3A = arith.constant 0 : i32
    %dma_wait3A_5 = arith.constant 0 : i32
    %dma_wait3A_6 = tpu.memref_slice %arg4[%dma_wait3A, %dma_wait3A_5] : memref<4096x768xf32, #tpu.memory_space<hbm>> -> memref<4096x768xf32, #tpu.memory_space<hbm>>
    tpu.wait_indirect_dma semaphore(%arg7 : memref<!tpu.dma_semaphore, #tpu.memory_space<semaphore_mem>>) src(%arg6 : memref<128x768xf32, #tpu.memory_space<vmem>>) dst(%dma_wait3A_6 : memref<4096x768xf32, #tpu.memory_space<hbm>>)
    return
  }
}

#map = affine_map<(d0, d1) -> (0, 0)>
#map1 = affine_map<(d0, d1) -> (0)>
module attributes {stable_mosaic.version = 14 : i64} {
  func.func @dispatch_k(%arg0: i32, %arg1: i32, %arg2: memref<4096x768xf32, #tpu.memory_space<hbm>>, %arg3: memref<4096x128xf32, #tpu.memory_space<hbm>>, %arg4: memref<4096xi32, #tpu.memory_space<hbm>>, %arg5: memref<4096x768xf32, #tpu.memory_space<hbm>>, %arg6: memref<4096x128xf32, #tpu.memory_space<hbm>>, %arg7: memref<128xi32, #tpu.memory_space<vmem>>, %arg8: memref<128x768xf32, #tpu.memory_space<vmem>>, %arg9: memref<128x128xf32, #tpu.memory_space<vmem>>, %arg10: memref<!tpu.dma_semaphore, #tpu.memory_space<semaphore_mem>>) attributes {dimension_semantics = [#tpu.dimension_semantics<core_parallel>, #tpu.dimension_semantics<subcore_parallel>], iteration_bounds = array<i64: 2, 16>, scalar_prefetch = 0 : i64, scratch_operands = 4 : i64, tpu.core_type = #tpu.core_type<sc_vector_subcore>, window_params = [{transform_indices = #map}, {transform_indices = #map}, {transform_indices = #map1}, {transform_indices = #map}, {transform_indices = #map}]} {
    %mul3A = arith.constant 2 : i32
    %mul3A_0 = arith.muli %arg1, %mul3A : i32
    %add3A = arith.addi %mul3A_0, %arg0 : i32
    %mul3A_1 = arith.constant 128 : i32
    %mul3A_2 = arith.muli %add3A, %mul3A_1 : i32
    "tpu.region"() ({
      %run_scoped3A = tpu.sem_alloc : memref<!tpu.dma_semaphore, #tpu.memory_space<semaphore_mem>>
      %dma_start3A_13 = tpu.memref_slice %arg4[%mul3A_2] : memref<4096xi32, #tpu.memory_space<hbm>> -> memref<128xi32, #tpu.memory_space<hbm>>
      %dma_start3A_14 = tpu.memref_slice %arg4[%mul3A_2] : memref<4096xi32, #tpu.memory_space<hbm>> -> memref<128xi32, #tpu.memory_space<hbm>>
      tpu.enqueue_dma source(%dma_start3A_14 : memref<128xi32, #tpu.memory_space<hbm>>) target(%arg7 : memref<128xi32, #tpu.memory_space<vmem>>) target_semaphore(%run_scoped3A : memref<!tpu.dma_semaphore, #tpu.memory_space<semaphore_mem>>)
      %dma_wait3A_15 = tpu.memref_slice %arg4[%mul3A_2] : memref<4096xi32, #tpu.memory_space<hbm>> -> memref<128xi32, #tpu.memory_space<hbm>>
      %dma_wait3A_16 = tpu.memref_slice %arg4[%mul3A_2] : memref<4096xi32, #tpu.memory_space<hbm>> -> memref<128xi32, #tpu.memory_space<hbm>>
      tpu.wait_dma2 semaphore(%run_scoped3A : memref<!tpu.dma_semaphore, #tpu.memory_space<semaphore_mem>>) src(%dma_wait3A_16 : memref<128xi32, #tpu.memory_space<hbm>>) dst(%arg7 : memref<128xi32, #tpu.memory_space<vmem>>)
      tpu.yield
    }) : () -> ()
    %dma_start3A = arith.constant 0 : i32
    %dma_start3A_3 = arith.constant 0 : i32
    %dma_start3A_4 = tpu.memref_slice %arg2[%dma_start3A, %dma_start3A_3] : memref<4096x768xf32, #tpu.memory_space<hbm>> -> memref<4096x768xf32, #tpu.memory_space<hbm>>
    tpu.enqueue_indirect_dma source(%dma_start3A_4 : memref<4096x768xf32, #tpu.memory_space<hbm>>) target(%arg8 : memref<128x768xf32, #tpu.memory_space<vmem>>) offsets(%arg7 : memref<128xi32, #tpu.memory_space<vmem>>) semaphore(%arg10 : memref<!tpu.dma_semaphore, #tpu.memory_space<semaphore_mem>>)
    %dma_wait3A = arith.constant 0 : i32
    %dma_wait3A_5 = arith.constant 0 : i32
    %dma_wait3A_6 = tpu.memref_slice %arg2[%dma_wait3A, %dma_wait3A_5] : memref<4096x768xf32, #tpu.memory_space<hbm>> -> memref<4096x768xf32, #tpu.memory_space<hbm>>
    tpu.wait_indirect_dma semaphore(%arg10 : memref<!tpu.dma_semaphore, #tpu.memory_space<semaphore_mem>>) src(%dma_wait3A_6 : memref<4096x768xf32, #tpu.memory_space<hbm>>) dst(%arg8 : memref<128x768xf32, #tpu.memory_space<vmem>>)
    %dma_start3A_7 = arith.constant 0 : i32
    %dma_start3A_8 = arith.constant 0 : i32
    %dma_start3A_9 = tpu.memref_slice %arg3[%dma_start3A_7, %dma_start3A_8] : memref<4096x128xf32, #tpu.memory_space<hbm>> -> memref<4096x128xf32, #tpu.memory_space<hbm>>
    tpu.enqueue_indirect_dma source(%dma_start3A_9 : memref<4096x128xf32, #tpu.memory_space<hbm>>) target(%arg9 : memref<128x128xf32, #tpu.memory_space<vmem>>) offsets(%arg7 : memref<128xi32, #tpu.memory_space<vmem>>) semaphore(%arg10 : memref<!tpu.dma_semaphore, #tpu.memory_space<semaphore_mem>>)
    %dma_wait3A_10 = arith.constant 0 : i32
    %dma_wait3A_11 = arith.constant 0 : i32
    %dma_wait3A_12 = tpu.memref_slice %arg3[%dma_wait3A_10, %dma_wait3A_11] : memref<4096x128xf32, #tpu.memory_space<hbm>> -> memref<4096x128xf32, #tpu.memory_space<hbm>>
    tpu.wait_indirect_dma semaphore(%arg10 : memref<!tpu.dma_semaphore, #tpu.memory_space<semaphore_mem>>) src(%dma_wait3A_12 : memref<4096x128xf32, #tpu.memory_space<hbm>>) dst(%arg9 : memref<128x128xf32, #tpu.memory_space<vmem>>)
    "tpu.region"() ({
      %run_scoped3A = tpu.sem_alloc : memref<!tpu.dma_semaphore, #tpu.memory_space<semaphore_mem>>
      %dma_start3A_13 = arith.constant 0 : i32
      %dma_start3A_14 = tpu.memref_slice %arg5[%mul3A_2, %dma_start3A_13] : memref<4096x768xf32, #tpu.memory_space<hbm>> -> memref<128x768xf32, #tpu.memory_space<hbm>>
      %dma_start3A_15 = arith.constant 0 : i32
      %dma_start3A_16 = tpu.memref_slice %arg5[%mul3A_2, %dma_start3A_15] : memref<4096x768xf32, #tpu.memory_space<hbm>> -> memref<128x768xf32, #tpu.memory_space<hbm>>
      tpu.enqueue_dma source(%arg8 : memref<128x768xf32, #tpu.memory_space<vmem>>) target(%dma_start3A_16 : memref<128x768xf32, #tpu.memory_space<hbm>>) target_semaphore(%run_scoped3A : memref<!tpu.dma_semaphore, #tpu.memory_space<semaphore_mem>>)
      %dma_wait3A_17 = arith.constant 0 : i32
      %dma_wait3A_18 = tpu.memref_slice %arg5[%mul3A_2, %dma_wait3A_17] : memref<4096x768xf32, #tpu.memory_space<hbm>> -> memref<128x768xf32, #tpu.memory_space<hbm>>
      %dma_wait3A_19 = arith.constant 0 : i32
      %dma_wait3A_20 = tpu.memref_slice %arg5[%mul3A_2, %dma_wait3A_19] : memref<4096x768xf32, #tpu.memory_space<hbm>> -> memref<128x768xf32, #tpu.memory_space<hbm>>
      tpu.wait_dma2 semaphore(%run_scoped3A : memref<!tpu.dma_semaphore, #tpu.memory_space<semaphore_mem>>) src(%arg8 : memref<128x768xf32, #tpu.memory_space<vmem>>) dst(%dma_wait3A_20 : memref<128x768xf32, #tpu.memory_space<hbm>>)
      tpu.yield
    }) : () -> ()
    "tpu.region"() ({
      %run_scoped3A = tpu.sem_alloc : memref<!tpu.dma_semaphore, #tpu.memory_space<semaphore_mem>>
      %dma_start3A_13 = arith.constant 0 : i32
      %dma_start3A_14 = tpu.memref_slice %arg6[%mul3A_2, %dma_start3A_13] : memref<4096x128xf32, #tpu.memory_space<hbm>> -> memref<128x128xf32, #tpu.memory_space<hbm>>
      %dma_start3A_15 = arith.constant 0 : i32
      %dma_start3A_16 = tpu.memref_slice %arg6[%mul3A_2, %dma_start3A_15] : memref<4096x128xf32, #tpu.memory_space<hbm>> -> memref<128x128xf32, #tpu.memory_space<hbm>>
      tpu.enqueue_dma source(%arg9 : memref<128x128xf32, #tpu.memory_space<vmem>>) target(%dma_start3A_16 : memref<128x128xf32, #tpu.memory_space<hbm>>) target_semaphore(%run_scoped3A : memref<!tpu.dma_semaphore, #tpu.memory_space<semaphore_mem>>)
      %dma_wait3A_17 = arith.constant 0 : i32
      %dma_wait3A_18 = tpu.memref_slice %arg6[%mul3A_2, %dma_wait3A_17] : memref<4096x128xf32, #tpu.memory_space<hbm>> -> memref<128x128xf32, #tpu.memory_space<hbm>>
      %dma_wait3A_19 = arith.constant 0 : i32
      %dma_wait3A_20 = tpu.memref_slice %arg6[%mul3A_2, %dma_wait3A_19] : memref<4096x128xf32, #tpu.memory_space<hbm>> -> memref<128x128xf32, #tpu.memory_space<hbm>>
      tpu.wait_dma2 semaphore(%run_scoped3A : memref<!tpu.dma_semaphore, #tpu.memory_space<semaphore_mem>>) src(%arg9 : memref<128x128xf32, #tpu.memory_space<vmem>>) dst(%dma_wait3A_20 : memref<128x128xf32, #tpu.memory_space<hbm>>)
      tpu.yield
    }) : () -> ()
    return
  }
}

module attributes {stable_mosaic.version = 14 : i64} {
  func.func @_router_body(%arg0: i32, %arg1: memref<512x768xf32, #tpu.memory_space<vmem>>, %arg2: memref<64x768xf32, #tpu.memory_space<vmem>>, %arg3: memref<1x64xf32, #tpu.memory_space<vmem>>, %arg4: memref<512x128xf32, #tpu.memory_space<vmem>>, %arg5: memref<512x128xi32, #tpu.memory_space<vmem>>) attributes {dimension_semantics = [#tpu.dimension_semantics<arbitrary>], iteration_bounds = array<i64: 8>, scalar_prefetch = 0 : i64, scratch_operands = 0 : i64, tpu.core_type = #tpu.core_type<tc>, window_params = [{transform_indices = @transform_0, window_bounds = array<i64: 512, 768>}, {pipeline_mode = #tpu.pipeline_mode<synchronous>, transform_indices = @transform_1, window_bounds = array<i64: 64, 768>}, {pipeline_mode = #tpu.pipeline_mode<synchronous>, transform_indices = @transform_2, window_bounds = array<i64: 1, 64>}, {transform_indices = @transform_3, window_bounds = array<i64: 512, 128>}, {transform_indices = @transform_4, window_bounds = array<i64: 512, 128>}]} {
    %get3A = arith.constant 0 : index
    %get3A_0 = arith.constant 0 : index
    %get3A_1 = vector.load %arg1[%get3A, %get3A_0] : memref<512x768xf32, #tpu.memory_space<vmem>>, vector<512x768xf32>
    %get3A_2 = arith.constant 0 : index
    %get3A_3 = arith.constant 0 : index
    %get3A_4 = vector.load %arg2[%get3A_2, %get3A_3] : memref<64x768xf32, #tpu.memory_space<vmem>>, vector<64x768xf32>
    %dot_general3A = arith.constant dense<0.000000e+00> : vector<512x64xf32>
    %dot_general3A_5 = tpu.matmul %get3A_1, %get3A_4, %dot_general3A {dimension_numbers = #tpu.dot_dimension_numbers<[1], [1], [0], [0], [0, 0, 1, 0], [], []>, transpose_lhs_hint = false} : vector<512x768xf32>, vector<64x768xf32>, vector<512x64xf32> -> vector<512x64xf32>
    %get3A_6 = arith.constant 0 : index
    %get3A_7 = arith.constant 0 : index
    %get3A_8 = vector.load %arg3[%get3A_6, %get3A_7] : memref<1x64xf32, #tpu.memory_space<vmem>>, vector<1x64xf32>
    %add3A = vector.broadcast %get3A_8 : vector<1x64xf32> to vector<512x64xf32>
    %add3A_9 = arith.addf %dot_general3A_5, %add3A : vector<512x64xf32>
    %reduce_max3A = arith.constant dense<0xFF800000> : vector<512xf32>
    %reduce_max3A_10 = vector.multi_reduction <maximumf>, %add3A_9, %reduce_max3A [1] : vector<512x64xf32> to vector<512xf32>
    %broadcast_in_dim3A = vector.shape_cast %reduce_max3A_10 : vector<512xf32> to vector<512x1xf32>
    %iota3A = tpu.iota {dimensions = array<i32: 1>} : vector<512x64xi32>
    %eq3A = vector.broadcast %broadcast_in_dim3A : vector<512x1xf32> to vector<512x64xf32>
    %eq3A_11 = arith.cmpf oeq, %add3A_9, %eq3A : vector<512x64xf32>
    %jit3A = arith.constant 64 : i32
    %broadcast_in_dim3A_12 = vector.broadcast %jit3A : i32 to vector<512x64xi32>
    %select_n3A = arith.select %eq3A_11, %iota3A, %broadcast_in_dim3A_12 : vector<512x64xi1>, vector<512x64xi32>
    %reduce_min3A = arith.constant dense<2147483647> : vector<512xi32>
    %reduce_min3A_13 = vector.multi_reduction <minsi>, %select_n3A, %reduce_min3A [1] : vector<512x64xi32> to vector<512xi32>
    %broadcast_in_dim3A_14 = vector.shape_cast %reduce_min3A_13 : vector<512xi32> to vector<512x1xi32>
    %sub3A = vector.broadcast %broadcast_in_dim3A : vector<512x1xf32> to vector<512x64xf32>
    %sub3A_15 = arith.subf %add3A_9, %sub3A : vector<512x64xf32>
    %exp3A = math.exp %sub3A_15 : vector<512x64xf32>
    %reduce_sum3A = arith.constant dense<0.000000e+00> : vector<512xf32>
    %reduce_sum3A_16 = vector.multi_reduction <add>, %exp3A, %reduce_sum3A [1] : vector<512x64xf32> to vector<512xf32>
    %broadcast_in_dim3A_17 = vector.shape_cast %reduce_sum3A_16 : vector<512xf32> to vector<512x1xf32>
    %div3A = arith.constant 1.000000e+00 : f32
    %div3A_18 = vector.broadcast %div3A : f32 to vector<512x1xf32>
    %div3A_19 = arith.divf %div3A_18, %broadcast_in_dim3A_17 : vector<512x1xf32>
    %broadcast_in_dim3A_20 = vector.shape_cast %div3A_19 : vector<512x1xf32> to vector<512x1xf32>
    %broadcast_in_dim3A_21 = vector.broadcast %broadcast_in_dim3A_20 : vector<512x1xf32> to vector<512x128xf32>
    %swap3A = arith.constant 0 : index
    %swap3A_22 = arith.constant 0 : index
    %swap3A_23 = vector.load %arg4[%swap3A, %swap3A_22] : memref<512x128xf32, #tpu.memory_space<vmem>>, vector<512x128xf32>
    tpu.vector_store %arg4[%swap3A, %swap3A_22], %broadcast_in_dim3A_21 {strides = array<i32>} : memref<512x128xf32, #tpu.memory_space<vmem>>, vector<512x128xf32>,
    %broadcast_in_dim3A_24 = vector.shape_cast %broadcast_in_dim3A_14 : vector<512x1xi32> to vector<512x1xi32>
    %broadcast_in_dim3A_25 = vector.broadcast %broadcast_in_dim3A_24 : vector<512x1xi32> to vector<512x128xi32>
    %swap3A_26 = arith.constant 0 : index
    %swap3A_27 = arith.constant 0 : index
    %swap3A_28 = vector.load %arg5[%swap3A_26, %swap3A_27] : memref<512x128xi32, #tpu.memory_space<vmem>>, vector<512x128xi32>
    tpu.vector_store %arg5[%swap3A_26, %swap3A_27], %broadcast_in_dim3A_25 {strides = array<i32>} : memref<512x128xi32, #tpu.memory_space<vmem>>, vector<512x128xi32>,
    return
  }
  func.func @transform_0(%arg0: i32) -> (i32, i32) {
    %c0_i32 = arith.constant 0 : i32
    %c0_i32_0 = arith.constant 0 : i32
    return %arg0, %c0_i32 : i32, i32
  }
  func.func @transform_1(%arg0: i32) -> (i32, i32) {
    %c0_i32 = arith.constant 0 : i32
    %c0_i32_0 = arith.constant 0 : i32
    %c0_i32_1 = arith.constant 0 : i32
    return %c0_i32, %c0_i32_0 : i32, i32
  }
  func.func @transform_2(%arg0: i32) -> (i32, i32) {
    %c0_i32 = arith.constant 0 : i32
    %c0_i32_0 = arith.constant 0 : i32
    %c0_i32_1 = arith.constant 0 : i32
    return %c0_i32, %c0_i32_0 : i32, i32
  }
  func.func @transform_3(%arg0: i32) -> (i32, i32) {
    %c0_i32 = arith.constant 0 : i32
    %c0_i32_0 = arith.constant 0 : i32
    return %arg0, %c0_i32 : i32, i32
  }
  func.func @transform_4(%arg0: i32) -> (i32, i32) {
    %c0_i32 = arith.constant 0 : i32
    %c0_i32_0 = arith.constant 0 : i32
    return %arg0, %c0_i32 : i32, i32
  }
}

module attributes {stable_mosaic.version = 14 : i64} {
  func.func @_ffn_body(%arg0: i32, %arg1: memref<79xi32, #tpu.memory_space<smem>>, %arg2: memref<79xi32, #tpu.memory_space<smem>>, %arg3: memref<79xi32, #tpu.memory_space<smem>>, %arg4: memref<79xi32, #tpu.memory_space<smem>>, %arg5: memref<79xi32, #tpu.memory_space<smem>>, %arg6: memref<256x768xf32, #tpu.memory_space<vmem>>, %arg7: memref<256x128xf32, #tpu.memory_space<vmem>>, %arg8: memref<1x2048x768xf32, #tpu.memory_space<vmem>>, %arg9: memref<1x1x2048xf32, #tpu.memory_space<vmem>>, %arg10: memref<1x768x2048xf32, #tpu.memory_space<vmem>>, %arg11: memref<1x1x768xf32, #tpu.memory_space<vmem>>, %arg12: memref<256x768xf32, #tpu.memory_space<vmem>>) attributes {dimension_semantics = [#tpu.dimension_semantics<arbitrary>], iteration_bounds = array<i64: 79>, scalar_prefetch = 5 : i64, scratch_operands = 0 : i64, tpu.core_type = #tpu.core_type<tc>, window_params = [{transform_indices = @transform_0, window_bounds = array<i64: 256, 768>}, {transform_indices = @transform_1, window_bounds = array<i64: 256, 128>}, {transform_indices = @transform_2, window_bounds = array<i64: 1, 2048, 768>}, {transform_indices = @transform_3, window_bounds = array<i64: 1, 1, 2048>}, {transform_indices = @transform_4, window_bounds = array<i64: 1, 768, 2048>}, {transform_indices = @transform_5, window_bounds = array<i64: 1, 1, 768>}, {transform_indices = @transform_6, window_bounds = array<i64: 256, 768>}]} {
    %get3A = arith.index_cast %arg0 : i32 to index
    %get3A_0 = memref.load %arg5[%get3A] : memref<79xi32, #tpu.memory_space<smem>>
    %eq3A = arith.constant 1 : i32
    %eq3A_1 = arith.cmpi eq, %get3A_0, %eq3A : i32
    %convert_element_type3A = arith.extui %eq3A_1 : i1 to i32
    %cond3A = arith.constant 0 : i32
    %cond3A_2 = arith.cmpi ne, %convert_element_type3A, %cond3A : i32
    scf.if %cond3A_2 {
      %broadcast_in_dim3A_60 = arith.constant 0.000000e+00 : f32
      %broadcast_in_dim3A_61 = vector.broadcast %broadcast_in_dim3A_60 : f32 to vector<256x768xf32>
      %swap3A_62 = arith.constant 0 : index
      %swap3A_63 = arith.constant 0 : index
      %swap3A_64 = vector.load %arg12[%swap3A_62, %swap3A_63] : memref<256x768xf32, #tpu.memory_space<vmem>>, vector<256x768xf32>
      tpu.vector_store %arg12[%swap3A_62, %swap3A_63], %broadcast_in_dim3A_61 {strides = array<i32>} : memref<256x768xf32, #tpu.memory_space<vmem>>, vector<256x768xf32>,
    } else {
    }
    %get3A_3 = arith.constant 0 : index
    %get3A_4 = arith.constant 0 : index
    %get3A_5 = vector.load %arg6[%get3A_3, %get3A_4] : memref<256x768xf32, #tpu.memory_space<vmem>>, vector<256x768xf32>
    %convert_element_type3A_6 = arith.truncf %get3A_5 : vector<256x768xf32> to vector<256x768xbf16>
    %get3A_7 = arith.constant 0 : index
    %get3A_8 = arith.constant 0 : index
    %get3A_9 = arith.constant 0 : index
    %get3A_10 = vector.load %arg8[%get3A_7, %get3A_8, %get3A_9] : memref<1x2048x768xf32, #tpu.memory_space<vmem>>, vector<1x2048x768xf32>
    %get3A_11 = vector.shape_cast %get3A_10 : vector<1x2048x768xf32> to vector<2048x768xf32>
    %convert_element_type3A_12 = arith.truncf %get3A_11 : vector<2048x768xf32> to vector<2048x768xbf16>
    %dot_general3A = arith.constant dense<0.000000e+00> : vector<256x2048xf32>
    %dot_general3A_13 = tpu.matmul %convert_element_type3A_6, %convert_element_type3A_12, %dot_general3A {dimension_numbers = #tpu.dot_dimension_numbers<[1], [1], [0], [0], [0, 0, 1, 0], [], []>, transpose_lhs_hint = false} : vector<256x768xbf16>, vector<2048x768xbf16>, vector<256x2048xf32> -> vector<256x2048xf32>
    %get3A_14 = arith.constant 0 : index
    %get3A_15 = arith.constant 0 : index
    %get3A_16 = arith.constant 0 : index
    %get3A_17 = vector.load %arg9[%get3A_14, %get3A_15, %get3A_16] : memref<1x1x2048xf32, #tpu.memory_space<vmem>>, vector<1x1x2048xf32>
    %get3A_18 = vector.shape_cast %get3A_17 : vector<1x1x2048xf32> to vector<1x2048xf32>
    %add3A = vector.broadcast %get3A_18 : vector<1x2048xf32> to vector<256x2048xf32>
    %add3A_19 = arith.addf %dot_general3A_13, %add3A : vector<256x2048xf32>
    %max3A = arith.constant 0.000000e+00 : f32
    %max3A_20 = vector.broadcast %max3A : f32 to vector<256x2048xf32>
    %max3A_21 = arith.maximumf %add3A_19, %max3A_20 : vector<256x2048xf32>
    %get3A_22 = arith.constant 0 : index
    %get3A_23 = arith.constant 0 : index
    %get3A_24 = arith.constant 0 : index
    %get3A_25 = vector.load %arg10[%get3A_22, %get3A_23, %get3A_24] : memref<1x768x2048xf32, #tpu.memory_space<vmem>>, vector<1x768x2048xf32>
    %get3A_26 = vector.shape_cast %get3A_25 : vector<1x768x2048xf32> to vector<768x2048xf32>
    %convert_element_type3A_27 = arith.truncf %get3A_26 : vector<768x2048xf32> to vector<768x2048xbf16>
    %convert_element_type3A_28 = arith.truncf %max3A_21 : vector<256x2048xf32> to vector<256x2048xbf16>
    %dot_general3A_29 = arith.constant dense<0.000000e+00> : vector<256x768xf32>
    %dot_general3A_30 = tpu.matmul %convert_element_type3A_28, %convert_element_type3A_27, %dot_general3A_29 {dimension_numbers = #tpu.dot_dimension_numbers<[1], [1], [0], [0], [0, 0, 1, 0], [], []>, transpose_lhs_hint = false} : vector<256x2048xbf16>, vector<768x2048xbf16>, vector<256x768xf32> -> vector<256x768xf32>
    %get3A_31 = arith.constant 0 : index
    %get3A_32 = arith.constant 0 : index
    %get3A_33 = arith.constant 0 : index
    %get3A_34 = vector.load %arg11[%get3A_31, %get3A_32, %get3A_33] : memref<1x1x768xf32, #tpu.memory_space<vmem>>, vector<1x1x768xf32>
    %get3A_35 = vector.shape_cast %get3A_34 : vector<1x1x768xf32> to vector<1x768xf32>
    %add3A_36 = vector.broadcast %get3A_35 : vector<1x768xf32> to vector<256x768xf32>
    %add3A_37 = arith.addf %dot_general3A_30, %add3A_36 : vector<256x768xf32>
    %get3A_38 = arith.index_cast %arg0 : i32 to index
    %get3A_39 = memref.load %arg1[%get3A_38] : memref<79xi32, #tpu.memory_space<smem>>
    %mul3A = arith.constant 256 : i32
    %mul3A_40 = arith.muli %get3A_39, %mul3A : i32
    %iota3A = tpu.iota {dimensions = array<i32: 0>} : vector<256x1xi32>
    %add3A_41 = vector.broadcast %mul3A_40 : i32 to vector<256x1xi32>
    %add3A_42 = arith.addi %add3A_41, %iota3A : vector<256x1xi32>
    %get3A_43 = arith.index_cast %arg0 : i32 to index
    %get3A_44 = memref.load %arg3[%get3A_43] : memref<79xi32, #tpu.memory_space<smem>>
    %ge3A = vector.broadcast %get3A_44 : i32 to vector<256x1xi32>
    %ge3A_45 = arith.cmpi sge, %add3A_42, %ge3A : vector<256x1xi32>
    %get3A_46 = arith.index_cast %arg0 : i32 to index
    %get3A_47 = memref.load %arg4[%get3A_46] : memref<79xi32, #tpu.memory_space<smem>>
    %lt3A = vector.broadcast %get3A_47 : i32 to vector<256x1xi32>
    %lt3A_48 = arith.cmpi slt, %add3A_42, %lt3A : vector<256x1xi32>
    %and3A = arith.andi %ge3A_45, %lt3A_48 : vector<256x1xi1>
    %get3A_49 = arith.constant 0 : index
    %get3A_50 = arith.constant 0 : index
    %get3A_51 = vector.load %arg7[%get3A_49, %get3A_50] : memref<256x128xf32, #tpu.memory_space<vmem>>, vector<256x1xf32>
    %jit3A = arith.constant 0.000000e+00 : f32
    %broadcast_in_dim3A = vector.broadcast %jit3A : f32 to vector<256x1xf32>
    %select_n3A = arith.select %and3A, %get3A_51, %broadcast_in_dim3A : vector<256x1xi1>, vector<256x1xf32>
    %get3A_52 = arith.constant 0 : index
    %get3A_53 = arith.constant 0 : index
    %get3A_54 = vector.load %arg12[%get3A_52, %get3A_53] : memref<256x768xf32, #tpu.memory_space<vmem>>, vector<256x768xf32>
    %mul3A_55 = vector.broadcast %select_n3A : vector<256x1xf32> to vector<256x768xf32>
    %mul3A_56 = arith.mulf %add3A_37, %mul3A_55 : vector<256x768xf32>
    %add3A_57 = arith.addf %get3A_54, %mul3A_56 : vector<256x768xf32>
    %swap3A = arith.constant 0 : index
    %swap3A_58 = arith.constant 0 : index
    %swap3A_59 = vector.load %arg12[%swap3A, %swap3A_58] : memref<256x768xf32, #tpu.memory_space<vmem>>, vector<256x768xf32>
    tpu.vector_store %arg12[%swap3A, %swap3A_58], %add3A_57 {strides = array<i32>} : memref<256x768xf32, #tpu.memory_space<vmem>>, vector<256x768xf32>,
    return
  }
  func.func @transform_0(%arg0: i32, %arg1: memref<79xi32, #tpu.memory_space<smem>>, %arg2: memref<79xi32, #tpu.memory_space<smem>>, %arg3: memref<79xi32, #tpu.memory_space<smem>>, %arg4: memref<79xi32, #tpu.memory_space<smem>>, %arg5: memref<79xi32, #tpu.memory_space<smem>>) -> (i32, i32) {
    %get3A = arith.index_cast %arg0 : i32 to index
    %get3A_0 = memref.load %arg1[%get3A] : memref<79xi32, #tpu.memory_space<smem>>
    %c0_i32 = arith.constant 0 : i32
    %c0_i32_1 = arith.constant 0 : i32
    return %get3A_0, %c0_i32 : i32, i32
  }
  func.func @transform_1(%arg0: i32, %arg1: memref<79xi32, #tpu.memory_space<smem>>, %arg2: memref<79xi32, #tpu.memory_space<smem>>, %arg3: memref<79xi32, #tpu.memory_space<smem>>, %arg4: memref<79xi32, #tpu.memory_space<smem>>, %arg5: memref<79xi32, #tpu.memory_space<smem>>) -> (i32, i32) {
    %get3A = arith.index_cast %arg0 : i32 to index
    %get3A_0 = memref.load %arg1[%get3A] : memref<79xi32, #tpu.memory_space<smem>>
    %c0_i32 = arith.constant 0 : i32
    %c0_i32_1 = arith.constant 0 : i32
    return %get3A_0, %c0_i32 : i32, i32
  }
  func.func @transform_2(%arg0: i32, %arg1: memref<79xi32, #tpu.memory_space<smem>>, %arg2: memref<79xi32, #tpu.memory_space<smem>>, %arg3: memref<79xi32, #tpu.memory_space<smem>>, %arg4: memref<79xi32, #tpu.memory_space<smem>>, %arg5: memref<79xi32, #tpu.memory_space<smem>>) -> (i32, i32, i32) {
    %get3A = arith.index_cast %arg0 : i32 to index
    %get3A_0 = memref.load %arg2[%get3A] : memref<79xi32, #tpu.memory_space<smem>>
    %c0_i32 = arith.constant 0 : i32
    %c0_i32_1 = arith.constant 0 : i32
    %c0_i32_2 = arith.constant 0 : i32
    return %get3A_0, %c0_i32, %c0_i32_1 : i32, i32, i32
  }
  func.func @transform_3(%arg0: i32, %arg1: memref<79xi32, #tpu.memory_space<smem>>, %arg2: memref<79xi32, #tpu.memory_space<smem>>, %arg3: memref<79xi32, #tpu.memory_space<smem>>, %arg4: memref<79xi32, #tpu.memory_space<smem>>, %arg5: memref<79xi32, #tpu.memory_space<smem>>) -> (i32, i32, i32) {
    %get3A = arith.index_cast %arg0 : i32 to index
    %get3A_0 = memref.load %arg2[%get3A] : memref<79xi32, #tpu.memory_space<smem>>
    %c0_i32 = arith.constant 0 : i32
    %c0_i32_1 = arith.constant 0 : i32
    %c0_i32_2 = arith.constant 0 : i32
    return %get3A_0, %c0_i32, %c0_i32_1 : i32, i32, i32
  }
  func.func @transform_4(%arg0: i32, %arg1: memref<79xi32, #tpu.memory_space<smem>>, %arg2: memref<79xi32, #tpu.memory_space<smem>>, %arg3: memref<79xi32, #tpu.memory_space<smem>>, %arg4: memref<79xi32, #tpu.memory_space<smem>>, %arg5: memref<79xi32, #tpu.memory_space<smem>>) -> (i32, i32, i32) {
    %get3A = arith.index_cast %arg0 : i32 to index
    %get3A_0 = memref.load %arg2[%get3A] : memref<79xi32, #tpu.memory_space<smem>>
    %c0_i32 = arith.constant 0 : i32
    %c0_i32_1 = arith.constant 0 : i32
    %c0_i32_2 = arith.constant 0 : i32
    return %get3A_0, %c0_i32, %c0_i32_1 : i32, i32, i32
  }
  func.func @transform_5(%arg0: i32, %arg1: memref<79xi32, #tpu.memory_space<smem>>, %arg2: memref<79xi32, #tpu.memory_space<smem>>, %arg3: memref<79xi32, #tpu.memory_space<smem>>, %arg4: memref<79xi32, #tpu.memory_space<smem>>, %arg5: memref<79xi32, #tpu.memory_space<smem>>) -> (i32, i32, i32) {
    %get3A = arith.index_cast %arg0 : i32 to index
    %get3A_0 = memref.load %arg2[%get3A] : memref<79xi32, #tpu.memory_space<smem>>
    %c0_i32 = arith.constant 0 : i32
    %c0_i32_1 = arith.constant 0 : i32
    %c0_i32_2 = arith.constant 0 : i32
    return %get3A_0, %c0_i32, %c0_i32_1 : i32, i32, i32
  }
  func.func @transform_6(%arg0: i32, %arg1: memref<79xi32, #tpu.memory_space<smem>>, %arg2: memref<79xi32, #tpu.memory_space<smem>>, %arg3: memref<79xi32, #tpu.memory_space<smem>>, %arg4: memref<79xi32, #tpu.memory_space<smem>>, %arg5: memref<79xi32, #tpu.memory_space<smem>>) -> (i32, i32) {
    %get3A = arith.index_cast %arg0 : i32 to index
    %get3A_0 = memref.load %arg1[%get3A] : memref<79xi32, #tpu.memory_space<smem>>
    %c0_i32 = arith.constant 0 : i32
    %c0_i32_1 = arith.constant 0 : i32
    return %get3A_0, %c0_i32 : i32, i32
  }
}

</mosaic_0001>

<sc_bundles>
// kernel: kernel.6.cloned.1.call-start
scs
__scs_entry_jumppad:
0x0: {  	(pc) =	sbr.rel $0x88, $3  }
0x1: {  	(tag) =	ssettag $0x0;
	lr =	simm.s32 $0x1  }
0x2: {  	[smem:$0x3F9A] =	sst lr;
	_ =	strace $0xD0000000  }
0x3: {  	_ = 	snop  }
0x4: {  	_ = 	snop  }
0x5: {  	_ = 	snop  }
0x6: {  	_ = 	snop  }
0x7: {  	_ = 	snop  }
__scs_overlays_trampoline_lowered:
0x8: {  	[smem:$0x3FA9] =	sst s0  }
0x9: {  	[smem:$0x3FAA] =	sst s1  }
0xa: {  	[smem:$0x3FAB] =	sst s2  }
0xb: {  	[smem:$0x3FAC] =	sst s3  }
0xc: {  	[smem:$0x3FAD] =	sst s4  }
0xd: {  	[smem:$0x3FAE] =	sst s5  }
0xe: {  	[smem:$0x3FAF] =	sst s6  }
0xf: {  	[smem:$0x3FB0] =	sst s7  }
0x10: {  	[smem:$0x3FB1] =	sst s8  }
0x11: {  	[smem:$0x3FB2] =	sst s9;
	s0 =	simm.s32 @!p0 $0x0  }
0x12: {  	s1 =	sld [smem:$0x3F98];
	s0 =	simm.s32 @p0 $0x1  }
0x13: {  	[smem:$0x3FB3] =	sst s0;
	s0 =	simm.s32 @!p1 $0x0  }
0x14: {  	s2 =	sld [smem:$0x3F97];
	s0 =	simm.s32 @p1 $0x1  }
0x15: {  	[smem:$0x3FB4] =	sst s0;
	s0 =	simm.s32 @!p2 $0x0  }
0x16: {  	s3 =	sld [smem:$0x3FDB];
	s0 =	simm.s32 @p2 $0x1  }
0x17: {  	s4 =	simm.s32 $0x1BF5;
	[smem:$0x3FB6] =	sst s0  }
0x18: {  	s0 =	sld [smem:$0x3F99];
	_ =	swait.ge [sflag:s4], $0x0  }
0x19: {  	s7 =	sld [smem:$0x3F9A]  }
0x1a: {  	s8 =	sadd.s32 $0xFFFFE003, lr  }
0x1b: {  	s9 =	sadd.s32 $0xFFFFFEF7, lr;
	s5 =	simm.s32 $0xFFFFFFFF;
	p2 =	slt.u32 s8, $0xFFFFF086  }
0x1c: {  	p1 =	slt.u32 s9, $0xF7A;
	s5 =	simm.s32 @!p2 $0x0  }
0x1d: {  	s5 =	simm.s32 @p1 $0x1;
	p0 =	seq.s32 s7, s2  }
0x1e: {  	s7 =	smul.u32 @!p0 $0xF7A, s2;
	p2 =	seq.s32 @!p0 s5, $0x0  }
0x1f: {  	s9 =	smul.u32 $0xF7A, s1;
	s8 =	simm.s32 @!p0 $0x1BF5;
	p2 =	por !p2, p0  }
0x20: {  	[sflag:s8] =	ssyncset.s32 @!p0 $0xFFFFF086;
	s6 =	sadd.s32 @!p0 s3, s7;
	s7 =	simm.s32 @!p0 $0x108  }
0x21: {  	s3 =	sadd.s32 s3, s9;
	s6 =	sadd.s32 @!p0 $0x88, s6;
	s7 =	simm.s32 @p2 $0x1082  }
0x22: {  	[simem:s7], [sflag:s8] =	dma.local @!p0 [hbm:s6], $0xF7A  }
0x23: {  	s9 =	sor.u32 $0xD0000000, s2;
	s6 =	simm.s32 $0x108;
	_ =	swait.ge @!p0 [sflag:s8], $0x0  }
0x24: {  	s3 =	sadd.s32 $0x88, s3;
	s6 =	simm.s32 @!p1 $0x1082;
	[sflag:s4] =	ssyncset.s32 $0xFFFFF086  }
0x25: {  	[simem:s6], [sflag:s4] =	dma.local [hbm:s3], $0xF7A  }
0x26: {  	[smem:$0x3F9A] =	sst s1;
	(tag) =	ssettag s2;
	_ =	strace s9  }
0x27: {  	s1 =	sld [smem:$0x3FAA]  }
0x28: {  	s2 =	sld [smem:$0x3FAB]  }
0x29: {  	s4 =	sld [smem:$0x3FAD]  }
0x2a: {  	p0 =	seq.s32 s5, $0x0;
	s5 =	sld [smem:$0x3FAE]  }
0x2b: {  	s6 =	sld [smem:$0x3FAF]  }
0x2c: {  	s7 =	sld [smem:$0x3FB0]  }
0x2d: {  	s3 =	simm.s32 $0x108;
	s8 =	sld [smem:$0x3FB1]  }
0x2e: {  	s3 =	simm.s32 @!p0 $0x1082;
	s9 =	sld [smem:$0x3FB2]  }
0x2f: {  	lr =	sadd.s32 s0, s3;
	s0 =	sld [smem:$0x3FA9]  }
0x30: {  	s3 =	sld [smem:$0x3FAC]  }
0x31: {  	[smem:$0x3FB5] =	sst s10  }
0x32: {  	s10 =	sld [smem:$0x3FB3];
	_ =	sdelay $0x3  }
0x33: {  	p0 =	seq.s32 s10, $0x1;
	s10 =	sld [smem:$0x3FB5];
	_ =	sdelay $0x3  }
0x34: {  	[smem:$0x3FB5] =	sst s10  }
0x35: {  	s10 =	sld [smem:$0x3FB4];
	_ =	sdelay $0x3  }
0x36: {  	p1 =	seq.s32 s10, $0x1;
	s10 =	sld [smem:$0x3FB5];
	_ =	sdelay $0x3  }
0x37: {  	[smem:$0x3FB5] =	sst s10  }
0x38: {  	s10 =	sld [smem:$0x3FB6]  }
0x39: {  	_ = 	snop;
	(pc) =	sbr.ind lr, $3  }
0x3a: {  	_ = 	snop  }
0x3b: {  	_ = 	snop  }
0x3c: {  	p2 =	seq.s32 s10, $0x1;
	s10 =	sld [smem:$0x3FB5]  }
0x3d: {  	_ =	shalt  }
0x3e: {  	_ =	shalt  }
0x3f: {  	_ =	shalt  }
0x40: {  	_ =	shalt  }
0x41: {  	_ =	shalt  }
0x42: {  	_ =	shalt  }
0x43: {  	_ =	shalt  }
0x44: {  	_ =	shalt  }
0x45: {  	_ =	shalt  }
0x46: {  	_ =	shalt  }
0x47: {  	_ =	shalt  }
0x48: {  	_ =	shalt  }
0x49: {  	_ =	shalt  }
0x4a: {  	_ =	shalt  }
0x4b: {  	_ =	shalt  }
0x4c: {  	_ =	shalt  }
0x4d: {  	_ =	shalt  }
0x4e: {  	_ =	shalt  }
0x4f: {  	_ =	shalt  }
0x50: {  	_ =	shalt  }
0x51: {  	_ =	shalt  }
0x52: {  	_ =	shalt  }
0x53: {  	_ =	shalt  }
0x54: {  	_ =	shalt  }
0x55: {  	_ =	shalt  }
0x56: {  	_ =	shalt  }
0x57: {  	_ =	shalt  }
0x58: {  	_ =	shalt  }
0x59: {  	_ =	shalt  }
0x5a: {  	_ =	shalt  }
0x5b: {  	_ =	shalt  }
0x5c: {  	_ =	shalt  }
0x5d: {  	_ =	shalt  }
0x5e: {  	_ =	shalt  }
0x5f: {  	_ =	shalt  }
0x60: {  	_ =	shalt  }
0x61: {  	_ =	shalt  }
0x62: {  	_ =	shalt  }
0x63: {  	_ =	shalt  }
0x64: {  	_ =	shalt  }
0x65: {  	_ =	shalt  }
0x66: {  	_ =	shalt  }
0x67: {  	_ =	shalt  }
0x68: {  	_ =	shalt  }
0x69: {  	_ =	shalt  }
0x6a: {  	_ =	shalt  }
0x6b: {  	_ =	shalt  }
0x6c: {  	_ =	shalt  }
0x6d: {  	_ =	shalt  }
0x6e: {  	_ =	shalt  }
0x6f: {  	_ =	shalt  }
0x70: {  	_ =	shalt  }
0x71: {  	_ =	shalt  }
0x72: {  	_ =	shalt  }
0x73: {  	_ =	shalt  }
0x74: {  	_ =	shalt  }
0x75: {  	_ =	shalt  }
0x76: {  	_ =	shalt  }
0x77: {  	_ =	shalt  }
0x78: {  	_ =	shalt  }
0x79: {  	_ =	shalt  }
0x7a: {  	_ =	shalt  }
0x7b: {  	_ =	shalt  }
0x7c: {  	_ =	shalt  }
0x7d: {  	_ =	shalt  }
0x7e: {  	_ =	shalt  }
0x7f: {  	_ =	shalt  }
0x80: {  	_ =	shalt  }
0x81: {  	_ =	shalt  }
0x82: {  	_ =	shalt  }
0x83: {  	_ =	shalt  }
0x84: {  	_ =	shalt  }
0x85: {  	_ =	shalt  }
0x86: {  	_ =	shalt  }
0x87: {  	_ =	shalt  }
.Lfunc_end0:
.L_simem_size_0:
called_computation.1_lowered:
.L_overlay_start_0:
0x88: {  	s2 =	sld [smem:$0x3FD9]  }
0x89: {  	s3 =	sld [smem:$0x3FFE];
	_ =	sdelay $0x1  }
0x8a: {  	s1 =	srdreg.scid  }
0x8b: {  	s0 =	sand.u32 $0x1, s1  }
0x8c: {  	s17 =	sshll.u32 s0, $0xA;
	s2 =	sadd.s32 s3, s2  }
0x8d: {  	s2 =	sadd.s32 s2, s17  }
0x8e: {  	[smem:$0x3FC1] =	sst s2  }
0x8f: {  	_ = 	snop  }
0x90: {  	s4 =	sld [smem:$0x3FC9]  }
0x91: {  	s18 =	sld [smem:$0x3FD0];
	(tm) =	ssettm $0x1  }
0x92: {  	s19 =	sld [smem:$0x3FFB];
	_ =	sdelay $0x3  }
0x93: {  	_ =	strace s19  }
0x94: {  	s2 =	sld [smem:$0x3FFC];
	_ =	sdelay $0x3  }
0x95: {  	_ =	strace s2  }
0x96: {  	s2 =	sld [smem:$0x3FFD];
	_ =	sdelay $0x3  }
0x97: {  	_ =	strace s2  }
0x98: {  	_ =	strace $0x8FFFFFFF  }
0x99: {  	s20 =	sld [smem:$0x3FDB];
	_ =	sdelay $0x1  }
0x9a: {  	s5 =	simm.s32 $_scs_section_size  }
0x9b: {  	s6 =	simm.s32 $_size__tile_overlayer_lowered;
	s7 =	simm.s32 $_tile_overlayer_lowered  }
0x9c: {  	s8 =	simm.s32 $0x1BFF;
	s21 =	sshll.u32 s7, $0x1;
	s5 =	sadd.s32 s5, s20  }
0x9d: {  	s22 =	simm.s32 $0x0;
	s6 =	sshll.u32 s6, $0x1;
	s7 =	sadd.s32 s21, s5  }
0x9e: {  	[timem:s22], [sflag:s8] =	dma.local [hbm:s7], s6  }
0x9f: {  	_ =	swait.ge [sflag:s8], s6  }
0xa0: {  	s6 =	ssub.s32 $0x0, s6;
	[sflag:s8] =	ssyncset.done $0x0  }
0xa1: {  	[sflag:s8] =	ssyncadd.s32 s6;
	_ =	sdelay $0x1  }
0xa2: {  	s23 =	simm.s32 $0x1B8B  }
0xa3: {  	_ =	swait.ge [sflag:s23], $0x1  }
0xa4: {  	[sflag:s23] =	ssyncset.done $0x0  }
0xa5: {  	[sflag:s23] =	ssyncadd.s32 $0xFFFFFFFF  }
0xa6: {  	s6 =	sld [smem:$0x0]  }
0xa7: {  	s7 =	sand.u32 $0xFFFFFFFE, s1  }
0xa8: {  	p0 =	sne.s32 s1, s7  }
0xa9: {  	s7 =	sshll.u32 @p0 s7, $0xE  }
0xaa: {  	s7 =	sadd.s32 @p0 $0x11B8D, s7;
	s8 =	sshll.u32 @p0 s6, $0x11  }
0xab: {  	s7 =	sor.u32 @p0 s8, s7  }
0xac: {  	[sflag:s7] =	ssyncadd.remote.s32 @p0 $0x1;
	_ =	sdelay $0x1  }
0xad: {  	s7 =	simm.s32 @p0 $0x1B8D  }
0xae: {  	_ =	swait.eq @p0 [sflag:s7], $0x1  }
0xaf: {  	[sflag:s7] =	ssyncadd.s32 @p0 $0xFFFFFFFF  }
0xb0: {  	s8 =	sshll.u32 @!p0 s1, $0xE  }
0xb1: {  	s8 =	sor.u32 @!p0 $0x4000, s8;
	s7 =	simm.s32 @!p0 $0x1B8D  }
0xb2: {  	s6 =	sshll.u32 @!p0 s6, $0x11;
	s8 =	sadd.s32 @!p0 $0x11B8D, s8;
	_ =	swait.eq @!p0 [sflag:s7], $0x1  }
0xb3: {  	s6 =	sor.u32 @!p0 s6, s8;
	[sflag:s7] =	ssyncadd.s32 @!p0 $0xFFFFFFFF  }
0xb4: {  	s25 =	simm.s32 $0x1B8E;
	s24 =	sld [smem:$0x3FFE];
	[sflag:s6] =	ssyncadd.remote.s32 @!p0 $0x1  }
0xb5: {  	s26 =	simm.s32 $execute0_lowered;
	[smem:$0x3FD2] =	sst s25  }
0xb6: {  	s7 =	sshll.u32 s26, $0x1;
	_ =	strace $0x80000049;
	[dreg:$0x1] =	wrdreg $0xFFFFFFFF  }
0xb7: {  	s28 =	simm.s32 $_size_execute0_lowered;
	s5 =	sadd.s32 s5, s7;
	[dreg:$0x0] =	wrdreg $0x0  }
0xb8: {  	s7 =	sshll.u32 s28, $0x1;
	[dreg:$0x2] =	wrdreg s5  }
0xb9: {  	[dreg:$0x3] =	wrdreg s7  }
0xba: {  	[dreg:$0x4] =	wrdreg $0xC0  }
0xbb: {  	_ =	task [dreg:s22], $0x5FFFF  }
0xbc: {  	[dreg:$0x1] =	wrdreg $0xFFFFFFFF  }
0xbd: {  	[dreg:$0x0] =	wrdreg $0x60  }
0xbe: {  	[dreg:$0x2] =	wrdreg s4  }
0xbf: {  	[dreg:$0x3] =	wrdreg s24  }
0xc0: {  	[dreg:$0x4] =	wrdreg s18  }
0xc1: {  	[dreg:$0x5] =	wrdreg $0xA  }
0xc2: {  	_ =	task.clear_ibuf [dreg:s22], $0x6FFFF;
	_ =	strace $0x90000049  }
0xc3: {  	s29 =	simm.s32 $0xA;
	_ =	strace $0x8000004B  }
0xc4: {  	_ =	swait.ge [sflag:s29], $0x1  }
0xc5: {  	[sflag:s29] =	ssyncadd.s32 $0xFFFFFFFF  }
0xc6: {  	_ =	strace $0x9000004B  }
0xc7: {  	_ =	sfence  }
0xc8: {  	s30 =	sld [smem:$0x0];
	_ =	sdelay $0x2  }
0xc9: {  	s31 =	sshll.u32 s1, $0xD;
	s1 =	sshrl.u32 s1, $0x2  }
0xca: {  	s4 =	sand.u32 $0x4000, s31;
	s1 =	sadd.s32 s1, s30  }
0xcb: {  	s0 =	sor.u32 s4, s0;
	s1 =	sshll.u32 s1, $0x11  }
0xcc: {  	s0 =	sor.u32 s1, s0  }
0xcd: {  	s0 =	sadd.s32 $0x8F2B, s0  }
0xce: {  	[sflag:s0] =	ssyncadd.remote.s32 $0x1  }
0xcf: {  	_ =	sfence.sel $0xFFFF  }
0xd0: {  	[dreg:$0x0] =	wrdreg $0xFFFFFFFF;
	(pc) =	sbr.abs _section_cstart, $3  }
0xd1: {  	[dreg:$0x1] =	wrdreg $0xFFFFFFFF  }
0xd2: {  	_ =	task.clear_ibuf [dreg:s22], $0x2FFFF;
	_ =	strace $0x9FFFFFFF  }
0xd3: {  	(tm) =	ssettm $0x7FFFFFFF  }
tec
execute0_lowered:
.L_overlay_start_1:
0x0: {  	(tag) =	ssettag $0x1  }
0x1: {  	s2 =	srdreg.scid  }
0x2: {  	s1 =	rddreg [dreg:$0x0];
	s0 =	stileid.u32;
	s2 =	sand.u32 $0x1, s2  }
0x3: {  	s3 =	rddreg [dreg:$0x1];
	s4 =	sshll.u32 s0, $0x8;
	s5 =	sshll.u32 s2, $0x7  }
0x4: {  	s6 =	rddreg [dreg:$0x2];
	s5 =	sor.u32 s5, s4;
	s4 =	simm.s32 $0x0  }
0x5: {  	s22 =	simm.s32 $0x880;
	[smem:$0x7FF] =	sst s4  }
0x6: {  	s23 =	simm.s32 $0x1080;
	_ =	strace $0x8000004A;
	[dreg:$0x7] =	wrdreg s22  }
0x7: {  	s24 =	simm.s32 $0x1880;
	[dreg:$0x8] =	wrdreg s23  }
0x8: {  	s25 =	simm.s32 $0x2080;
	[dreg:$0x9] =	wrdreg s24  }
0x9: {  	s26 =	simm.s32 $0x2880;
	[dreg:$0xa] =	wrdreg s25  }
0xa: {  	s0 =	simm.s32 $0x3080;
	[dreg:$0xb] =	wrdreg s26  }
0xb: {  	s9 =	simm.s32 $0x5880;
	s10 =	simm.s32 $0x6080;
	[dreg:$0xc] =	wrdreg s0  }
0xc: {  	s11 =	simm.s32 $0x6880;
	s12 =	simm.s32 $0x7080;
	[dreg:$0x11] =	wrdreg s9  }
0xd: {  	s13 =	simm.s32 $0x7880;
	s14 =	simm.s32 $0x8080;
	[dreg:$0x12] =	wrdreg s10  }
0xe: {  	s15 =	simm.s32 $0x8880;
	s16 =	simm.s32 $0x9080;
	[dreg:$0x13] =	wrdreg s11  }
0xf: {  	s17 =	simm.s32 $0x9880;
	s18 =	simm.s32 $0xA080;
	[dreg:$0x14] =	wrdreg s12  }
0x10: {  	s19 =	simm.s32 $0xA880;
	s21 =	simm.s32 $0xB080;
	[dreg:$0x15] =	wrdreg s13  }
0x11: {  	s28 =	simm.s32 $0x16880;
	s29 =	simm.s32 $0x17080;
	[dreg:$0x16] =	wrdreg s14  }
0x12: {  	s30 =	simm.s32 $0x17880;
	s2 =	ssub.s32 $0x2, s2;
	[dreg:$0x17] =	wrdreg s15  }
0x13: {  	s31 =	simm.s32 $0x1;
	s20 =	sshrl.u32 s2, $0x1;
	[dreg:$0x18] =	wrdreg s16  }
0x14: {  	s7 =	sshrl.u32 s5, $0x3;
	s5 =	sshll.u32 s5, $0x4;
	[dreg:$0x19] =	wrdreg s17  }
0x15: {  	s2 =	ssub.s32 s2, s20;
	s20 =	simm.s32 $0x13080;
	[dreg:$0x1a] =	wrdreg s18  }
0x16: {  	s8 =	sadd.s32 s7, s3;
	s7 =	smul.u32 $0x300, s7;
	[dreg:$0x1b] =	wrdreg s19  }
0x17: {  	s5 =	sadd.s32 s5, s3;
	s3 =	simm.s32 $0x3880;
	[dreg:$0x1c] =	wrdreg s21  }
0x18: {  	s22 =	simm.s32 $0xB880;
	s23 =	simm.s32 $0xC080;
	s24 =	simm.s32 $0xC880  }
0x19: {  	s25 =	simm.s32 $0xD080;
	s26 =	simm.s32 $0xD880;
	s9 =	simm.s32 $0x80  }
0x1a: {  	s10 =	simm.s32 $0xE080;
	s11 =	simm.s32 $0xE880;
	s12 =	simm.s32 $0xF080  }
0x1b: {  	s13 =	simm.s32 $0xF880;
	s14 =	simm.s32 $0x10080;
	[dreg:$0xd] =	wrdreg s3  }
0x1c: {  	s15 =	simm.s32 $0x10880;
	s16 =	simm.s32 $0x11080;
	[dreg:$0x1d] =	wrdreg s22  }
0x1d: {  	s17 =	simm.s32 $0x11880;
	s18 =	simm.s32 $0x12080;
	[dreg:$0x1e] =	wrdreg s23  }
0x1e: {  	s19 =	simm.s32 $0x12880;
	s21 =	simm.s32 $0x13880;
	[dreg:$0x1f] =	wrdreg s24  }
0x1f: {  	s8 =	sadd.s32 $0x10400, s8;
	s5 =	sadd.s32 $0x10A00, s5;
	[smem:$0x7FC] =	sst s25  }
0x20: {  	[smem:$0x7FD] =	sst s26;
	s22 =	simm.s32 $0x14080;
	s23 =	simm.s32 $0x14880  }
0x21: {  	s24 =	simm.s32 $0x15080;
	s25 =	simm.s32 $0x15880;
	[dreg:$0x4] =	wrdreg s8  }
0x22: {  	s26 =	simm.s32 $0x16080;
	s6 =	sadd.s32 s6, s7;
	[dreg:$0x6] =	wrdreg s5  }
0x23: {  	s7 =	simm.s32 $0x4880;
	s8 =	simm.s32 $0x5080;
	[dreg:$0x5] =	wrdreg s6  }
0x24: {  	v2 =	vlaneseq.u32;
	s5 =	sadd.s32 $0x100, s1;
	s6 =	simm.s32 $0x4080;
	[dreg:$0xf] =	wrdreg s7  }
0x25: {  	vm0 =	vmmov $0xffff;
	v1 =	vshrl.u32 v2, $0x3;
	[dreg:$0x10] =	wrdreg s8;
	s7 =	smax.u32 s2, $0x1;
	s8 =	simm.s32 $0x2  }
0x26: {  	v0 =	vand.u32 $0x7, v2;
	v2 =	vor.u32 $0x8, v2;
	v1 =	vmul.u32 $0x8, v1;
	s2 =	simm.s32 $0x18080;
	[dreg:$0xe] =	wrdreg s6;
	s6 =	sadd.s32 $0x200, s1  }
.LBB2_1:
0x27: {  	s0 =	rddreg [dreg:$0x4]  }
0x28: {  	[tilespmem:s4], [sflag:$0x2] =	stream.linear.gather [hbm4b:s0+s4], $0x80, $0x38;
	[tilespmem:$0x1C080] =	vst v63  }
0x29: {  	_ =	swait.ge [sflag:s8], $0x80  }
0x2a: {  	[sflag:s8] =	ssyncset.done $0x0  }
0x2b: {  	[sflag:s8] =	ssyncadd.s32 $0xFFFFFF80  }
0x2c: {  	v3 =	vld [tilespmem:$0x0];
	_ =	sdelay $0x4  }
0x2d: {  	v4 =	vshrl.u32 v3, $0x3  }
0x2e: {  	v4 =	vmul.u32 $0x30, v4  }
0x2f: {  	v3 =	vand.u32 $0x7, v3  }
0x30: {  	v3 =	vor.u32 v3, v4  }
0x31: {  	v4 =	vperm.xlane v3, v0;
	_ =	sdelay $0x1  }
0x32: {  	v4 =	vadd.s32 v1, v4;
	_ =	sdelay $0x3  }
0x33: {  	v3 =	vperm.xlane v3, v2  }
0x34: {  	[tilespmem:s9], [sflag:$0x1] =	stream.indirect_vreg.gather [hbm4b:s1+s4], $0x80, v4, vm0, $0xb8;
	[tilespmem:$0x1C080] =	vst v63  }
0x35: {  	s0 =	rddreg [dreg:$0x7];
	v3 =	vadd.s32 v1, v3  }
0x36: {  	[tilespmem:s0], [sflag:$0x1] =	stream.indirect_vreg.gather [hbm4b:s5+s4], $0x80, v4, vm0, $0xb8;
	[tilespmem:$0x1C080] =	vst v63  }
0x37: {  	s3 =	rddreg [dreg:$0x8]  }
0x38: {  	[tilespmem:s3], [sflag:$0x1] =	stream.indirect_vreg.gather [hbm4b:s6+s4], $0x80, v4, vm0, $0xb8;
	[tilespmem:$0x1C080] =	vst v63  }
0x39: {  	s0 =	rddreg [dreg:$0x9]  }
0x3a: {  	[tilespmem:s0], [sflag:$0x1] =	stream.indirect_vreg.gather [hbm4b:s1+s4], $0x80, v3, vm0, $0xb8;
	[tilespmem:$0x1C080] =	vst v63  }
0x3b: {  	s3 =	rddreg [dreg:$0xa]  }
0x3c: {  	[tilespmem:s3], [sflag:$0x1] =	stream.indirect_vreg.gather [hbm4b:s5+s4], $0x80, v3, vm0, $0xb8;
	[tilespmem:$0x1C080] =	vst v63  }
0x3d: {  	s0 =	rddreg [dreg:$0xb]  }
0x3e: {  	[tilespmem:s0], [sflag:$0x1] =	stream.indirect_vreg.gather [hbm4b:s6+s4], $0x80, v3, vm0, $0xb8;
	[tilespmem:$0x1C080] =	vst v63  }
0x3f: {  	v3 =	vld [tilespmem:$0x10];
	_ =	sdelay $0x4  }
0x40: {  	v57 =	vshrl.u32 v3, $0x3  }
0x41: {  	v4 =	vmul.u32 $0x30, v57  }
0x42: {  	v3 =	vand.u32 $0x7, v3  }
0x43: {  	v3 =	vor.u32 v3, v4  }
0x44: {  	v4 =	vperm.xlane v3, v0;
	_ =	sdelay $0x1  }
0x45: {  	v4 =	vadd.s32 v1, v4;
	_ =	sdelay $0x3  }
0x46: {  	s0 =	rddreg [dreg:$0xc];
	v3 =	vperm.xlane v3, v2  }
0x47: {  	[tilespmem:s0], [sflag:$0x1] =	stream.indirect_vreg.gather [hbm4b:s1+s4], $0x80, v4, vm0, $0xb8;
	[tilespmem:$0x1C080] =	vst v63  }
0x48: {  	s3 =	rddreg [dreg:$0xd];
	v3 =	vadd.s32 v1, v3  }
0x49: {  	[tilespmem:s3], [sflag:$0x1] =	stream.indirect_vreg.gather [hbm4b:s5+s4], $0x80, v4, vm0, $0xb8;
	[tilespmem:$0x1C080] =	vst v63  }
0x4a: {  	s0 =	rddreg [dreg:$0xe]  }
0x4b: {  	[tilespmem:s0], [sflag:$0x1] =	stream.indirect_vreg.gather [hbm4b:s6+s4], $0x80, v4, vm0, $0xb8;
	[tilespmem:$0x1C080] =	vst v63  }
0x4c: {  	s3 =	rddreg [dreg:$0xf]  }
0x4d: {  	[tilespmem:s3], [sflag:$0x1] =	stream.indirect_vreg.gather [hbm4b:s1+s4], $0x80, v3, vm0, $0xb8;
	[tilespmem:$0x1C080] =	vst v63  }
0x4e: {  	s0 =	rddreg [dreg:$0x10]  }
0x4f: {  	[tilespmem:s0], [sflag:$0x1] =	stream.indirect_vreg.gather [hbm4b:s5+s4], $0x80, v3, vm0, $0xb8;
	[tilespmem:$0x1C080] =	vst v63  }
0x50: {  	s3 =	rddreg [dreg:$0x11]  }
0x51: {  	[tilespmem:s3], [sflag:$0x1] =	stream.indirect_vreg.gather [hbm4b:s6+s4], $0x80, v3, vm0, $0xb8;
	[tilespmem:$0x1C080] =	vst v63  }
0x52: {  	v3 =	vld [tilespmem:$0x20];
	_ =	sdelay $0x4  }
0x53: {  	v58 =	vshrl.u32 v3, $0x3  }
0x54: {  	v4 =	vmul.u32 $0x30, v58  }
0x55: {  	v3 =	vand.u32 $0x7, v3  }
0x56: {  	v3 =	vor.u32 v3, v4  }
0x57: {  	v4 =	vperm.xlane v3, v0;
	_ =	sdelay $0x1  }
0x58: {  	v4 =	vadd.s32 v1, v4;
	_ =	sdelay $0x3  }
0x59: {  	s0 =	rddreg [dreg:$0x12];
	v3 =	vperm.xlane v3, v2  }
0x5a: {  	[tilespmem:s0], [sflag:$0x1] =	stream.indirect_vreg.gather [hbm4b:s1+s4], $0x80, v4, vm0, $0xb8;
	[tilespmem:$0x1C080] =	vst v63  }
0x5b: {  	s3 =	rddreg [dreg:$0x13];
	v3 =	vadd.s32 v1, v3  }
0x5c: {  	[tilespmem:s3], [sflag:$0x1] =	stream.indirect_vreg.gather [hbm4b:s5+s4], $0x80, v4, vm0, $0xb8;
	[tilespmem:$0x1C080] =	vst v63  }
0x5d: {  	s0 =	rddreg [dreg:$0x14]  }
0x5e: {  	[tilespmem:s0], [sflag:$0x1] =	stream.indirect_vreg.gather [hbm4b:s6+s4], $0x80, v4, vm0, $0xb8;
	[tilespmem:$0x1C080] =	vst v63  }
0x5f: {  	s3 =	rddreg [dreg:$0x15]  }
0x60: {  	[tilespmem:s3], [sflag:$0x1] =	stream.indirect_vreg.gather [hbm4b:s1+s4], $0x80, v3, vm0, $0xb8;
	[tilespmem:$0x1C080] =	vst v63  }
0x61: {  	s0 =	rddreg [dreg:$0x16]  }
0x62: {  	[tilespmem:s0], [sflag:$0x1] =	stream.indirect_vreg.gather [hbm4b:s5+s4], $0x80, v3, vm0, $0xb8;
	[tilespmem:$0x1C080] =	vst v63  }
0x63: {  	s3 =	rddreg [dreg:$0x17]  }
0x64: {  	[tilespmem:s3], [sflag:$0x1] =	stream.indirect_vreg.gather [hbm4b:s6+s4], $0x80, v3, vm0, $0xb8;
	[tilespmem:$0x1C080] =	vst v63  }
0x65: {  	v3 =	vld [tilespmem:$0x30];
	_ =	sdelay $0x4  }
0x66: {  	v59 =	vshrl.u32 v3, $0x3  }
0x67: {  	v4 =	vmul.u32 $0x30, v59  }
0x68: {  	v3 =	vand.u32 $0x7, v3  }
0x69: {  	v3 =	vor.u32 v3, v4  }
0x6a: {  	v4 =	vperm.xlane v3, v0;
	_ =	sdelay $0x1  }
0x6b: {  	v4 =	vadd.s32 v1, v4;
	_ =	sdelay $0x3  }
0x6c: {  	s0 =	rddreg [dreg:$0x18];
	v3 =	vperm.xlane v3, v2  }
0x6d: {  	[tilespmem:s0], [sflag:$0x1] =	stream.indirect_vreg.gather [hbm4b:s1+s4], $0x80, v4, vm0, $0xb8;
	[tilespmem:$0x1C080] =	vst v63  }
0x6e: {  	s3 =	rddreg [dreg:$0x19];
	v3 =	vadd.s32 v1, v3  }
0x6f: {  	[tilespmem:s3], [sflag:$0x1] =	stream.indirect_vreg.gather [hbm4b:s5+s4], $0x80, v4, vm0, $0xb8;
	[tilespmem:$0x1C080] =	vst v63  }
0x70: {  	s0 =	rddreg [dreg:$0x1a]  }
0x71: {  	[tilespmem:s0], [sflag:$0x1] =	stream.indirect_vreg.gather [hbm4b:s6+s4], $0x80, v4, vm0, $0xb8;
	[tilespmem:$0x1C080] =	vst v63  }
0x72: {  	s3 =	rddreg [dreg:$0x1b]  }
0x73: {  	[tilespmem:s3], [sflag:$0x1] =	stream.indirect_vreg.gather [hbm4b:s1+s4], $0x80, v3, vm0, $0xb8;
	[tilespmem:$0x1C080] =	vst v63  }
0x74: {  	s0 =	rddreg [dreg:$0x1c]  }
0x75: {  	[tilespmem:s0], [sflag:$0x1] =	stream.indirect_vreg.gather [hbm4b:s5+s4], $0x80, v3, vm0, $0xb8;
	[tilespmem:$0x1C080] =	vst v63  }
0x76: {  	s3 =	rddreg [dreg:$0x1d]  }
0x77: {  	[tilespmem:s3], [sflag:$0x1] =	stream.indirect_vreg.gather [hbm4b:s6+s4], $0x80, v3, vm0, $0xb8;
	[tilespmem:$0x1C080] =	vst v63  }
0x78: {  	v3 =	vld [tilespmem:$0x40];
	_ =	sdelay $0x4  }
0x79: {  	v60 =	vshrl.u32 v3, $0x3  }
0x7a: {  	v4 =	vmul.u32 $0x30, v60  }
0x7b: {  	v3 =	vand.u32 $0x7, v3  }
0x7c: {  	v3 =	vor.u32 v3, v4  }
0x7d: {  	v4 =	vperm.xlane v3, v0;
	_ =	sdelay $0x1  }
0x7e: {  	v4 =	vadd.s32 v1, v4;
	_ =	sdelay $0x2  }
0x7f: {  	s0 =	rddreg [dreg:$0x1e]  }
0x80: {  	s3 =	rddreg [dreg:$0x1f];
	v3 =	vperm.xlane v3, v2  }
0x81: {  	[tilespmem:s0], [sflag:$0x1] =	stream.indirect_vreg.gather [hbm4b:s1+s4], $0x80, v4, vm0, $0xb8;
	[tilespmem:$0x1C080] =	vst v63  }
0x82: {  	v3 =	vadd.s32 v1, v3;
	s0 =	sld [smem:$0x7FC]  }
0x83: {  	[tilespmem:s3], [sflag:$0x1] =	stream.indirect_vreg.gather [hbm4b:s5+s4], $0x80, v4, vm0, $0xb8;
	[tilespmem:$0x1C080] =	vst v63  }
0x84: {  	s3 =	sld [smem:$0x7FD]  }
0x85: {  	[tilespmem:s0], [sflag:$0x1] =	stream.indirect_vreg.gather [hbm4b:s6+s4], $0x80, v4, vm0, $0xb8;
	[tilespmem:$0x1C080] =	vst v63  }
0x86: {  	_ = 	snop  }
0x87: {  	[tilespmem:s3], [sflag:$0x1] =	stream.indirect_vreg.gather [hbm4b:s1+s4], $0x80, v3, vm0, $0xb8;
	[tilespmem:$0x1C080] =	vst v63  }
0x88: {  	_ = 	snop  }
0x89: {  	[tilespmem:s10], [sflag:$0x1] =	stream.indirect_vreg.gather [hbm4b:s5+s4], $0x80, v3, vm0, $0xb8;
	[tilespmem:$0x1C080] =	vst v63  }
0x8a: {  	_ = 	snop  }
0x8b: {  	[tilespmem:s11], [sflag:$0x1] =	stream.indirect_vreg.gather [hbm4b:s6+s4], $0x80, v3, vm0, $0xb8;
	[tilespmem:$0x1C080] =	vst v63  }
0x8c: {  	v3 =	vld [tilespmem:$0x50];
	_ =	sdelay $0x4  }
0x8d: {  	v61 =	vshrl.u32 v3, $0x3  }
0x8e: {  	v4 =	vmul.u32 $0x30, v61  }
0x8f: {  	v3 =	vand.u32 $0x7, v3  }
0x90: {  	v3 =	vor.u32 v3, v4  }
0x91: {  	v4 =	vperm.xlane v3, v0;
	_ =	sdelay $0x1  }
0x92: {  	v4 =	vadd.s32 v1, v4;
	_ =	sdelay $0x3  }
0x93: {  	v3 =	vperm.xlane v3, v2  }
0x94: {  	[tilespmem:s12], [sflag:$0x1] =	stream.indirect_vreg.gather [hbm4b:s1+s4], $0x80, v4, vm0, $0xb8;
	[tilespmem:$0x1C080] =	vst v63  }
0x95: {  	v3 =	vadd.s32 v1, v3  }
0x96: {  	[tilespmem:s13], [sflag:$0x1] =	stream.indirect_vreg.gather [hbm4b:s5+s4], $0x80, v4, vm0, $0xb8;
	[tilespmem:$0x1C080] =	vst v63  }
0x97: {  	_ = 	snop  }
0x98: {  	[tilespmem:s14], [sflag:$0x1] =	stream.indirect_vreg.gather [hbm4b:s6+s4], $0x80, v4, vm0, $0xb8;
	[tilespmem:$0x1C080] =	vst v63  }
0x99: {  	_ = 	snop  }
0x9a: {  	[tilespmem:s15], [sflag:$0x1] =	stream.indirect_vreg.gather [hbm4b:s1+s4], $0x80, v3, vm0, $0xb8;
	[tilespmem:$0x1C080] =	vst v63  }
0x9b: {  	_ = 	snop  }
0x9c: {  	[tilespmem:s16], [sflag:$0x1] =	stream.indirect_vreg.gather [hbm4b:s5+s4], $0x80, v3, vm0, $0xb8;
	[tilespmem:$0x1C080] =	vst v63  }
0x9d: {  	_ = 	snop  }
0x9e: {  	[tilespmem:s17], [sflag:$0x1] =	stream.indirect_vreg.gather [hbm4b:s6+s4], $0x80, v3, vm0, $0xb8;
	[tilespmem:$0x1C080] =	vst v63  }
0x9f: {  	v3 =	vld [tilespmem:$0x60];
	_ =	sdelay $0x4  }
0xa0: {  	v62 =	vshrl.u32 v3, $0x3  }
0xa1: {  	v4 =	vmul.u32 $0x30, v62  }
0xa2: {  	v3 =	vand.u32 $0x7, v3  }
0xa3: {  	v3 =	vor.u32 v3, v4  }
0xa4: {  	v4 =	vperm.xlane v3, v0;
	_ =	sdelay $0x1  }
0xa5: {  	v4 =	vadd.s32 v1, v4;
	_ =	sdelay $0x3  }
0xa6: {  	v3 =	vperm.xlane v3, v2  }
0xa7: {  	[tilespmem:s18], [sflag:$0x1] =	stream.indirect_vreg.gather [hbm4b:s1+s4], $0x80, v4, vm0, $0xb8;
	[tilespmem:$0x1C080] =	vst v63  }
0xa8: {  	v3 =	vadd.s32 v1, v3  }
0xa9: {  	[tilespmem:s19], [sflag:$0x1] =	stream.indirect_vreg.gather [hbm4b:s5+s4], $0x80, v4, vm0, $0xb8;
	[tilespmem:$0x1C080] =	vst v63  }
0xaa: {  	_ = 	snop  }
0xab: {  	[tilespmem:s20], [sflag:$0x1] =	stream.indirect_vreg.gather [hbm4b:s6+s4], $0x80, v4, vm0, $0xb8;
	[tilespmem:$0x1C080] =	vst v63  }
0xac: {  	_ = 	snop  }
0xad: {  	[tilespmem:s21], [sflag:$0x1] =	stream.indirect_vreg.gather [hbm4b:s1+s4], $0x80, v3, vm0, $0xb8;
	[tilespmem:$0x1C080] =	vst v63  }
0xae: {  	_ = 	snop  }
0xaf: {  	[tilespmem:s22], [sflag:$0x1] =	stream.indirect_vreg.gather [hbm4b:s5+s4], $0x80, v3, vm0, $0xb8;
	[tilespmem:$0x1C080] =	vst v63  }
0xb0: {  	_ = 	snop  }
0xb1: {  	[tilespmem:s23], [sflag:$0x1] =	stream.indirect_vreg.gather [hbm4b:s6+s4], $0x80, v3, vm0, $0xb8;
	[tilespmem:$0x1C080] =	vst v63  }
0xb2: {  	v3 =	vld [tilespmem:$0x70];
	_ =	sdelay $0x4  }
0xb3: {  	v63 =	vshrl.u32 v3, $0x3  }
0xb4: {  	v4 =	vmul.u32 $0x30, v63  }
0xb5: {  	v3 =	vand.u32 $0x7, v3  }
0xb6: {  	v3 =	vor.u32 v3, v4  }
0xb7: {  	v4 =	vperm.xlane v3, v0;
	_ =	sdelay $0x1  }
0xb8: {  	v4 =	vadd.s32 v1, v4;
	_ =	sdelay $0x3  }
0xb9: {  	v3 =	vperm.xlane v3, v2  }
0xba: {  	[tilespmem:s24], [sflag:$0x1] =	stream.indirect_vreg.gather [hbm4b:s1+s4], $0x80, v4, vm0, $0xb8;
	[tilespmem:$0x1C080] =	vst v63  }
0xbb: {  	v3 =	vadd.s32 v1, v3  }
0xbc: {  	[tilespmem:s25], [sflag:$0x1] =	stream.indirect_vreg.gather [hbm4b:s5+s4], $0x80, v4, vm0, $0xb8;
	[tilespmem:$0x1C080] =	vst v63  }
0xbd: {  	_ = 	snop  }
0xbe: {  	[tilespmem:s26], [sflag:$0x1] =	stream.indirect_vreg.gather [hbm4b:s6+s4], $0x80, v4, vm0, $0xb8;
	[tilespmem:$0x1C080] =	vst v63  }
0xbf: {  	_ = 	snop  }
0xc0: {  	[tilespmem:s28], [sflag:$0x1] =	stream.indirect_vreg.gather [hbm4b:s1+s4], $0x80, v3, vm0, $0xb8;
	[tilespmem:$0x1C080] =	vst v63  }
0xc1: {  	_ = 	snop  }
0xc2: {  	[tilespmem:s29], [sflag:$0x1] =	stream.indirect_vreg.gather [hbm4b:s5+s4], $0x80, v3, vm0, $0xb8;
	[tilespmem:$0x1C080] =	vst v63  }
0xc3: {  	_ = 	snop  }
0xc4: {  	[tilespmem:s30], [sflag:$0x1] =	stream.indirect_vreg.gather [hbm4b:s6+s4], $0x80, v3, vm0, $0xb8;
	[tilespmem:$0x1C080] =	vst v63  }
0xc5: {  	_ =	swait.ge [sflag:s31], $0x18000  }
0xc6: {  	[sflag:s31] =	ssyncset.done $0x0  }
0xc7: {  	[sflag:s31] =	ssyncadd.s32 $0xFFFE8000  }
0xc8: {  	s3 =	rddreg [dreg:$0x1]  }
0xc9: {  	[tilespmem:s2], [sflag:$0x1] =	stream.indirect.gather [hbm4b:s3+s9], $0x80, s4, s9, $0xb8;
	[tilespmem:$0x1C080] =	vst v63  }
0xca: {  	_ =	swait.ge [sflag:s31], $0x4000  }
0xcb: {  	[sflag:s31] =	ssyncset.done $0x0  }
0xcc: {  	s3 =	rddreg [dreg:$0x5];
	[sflag:s31] =	ssyncadd.s32 $0xFFFFC000  }
0xcd: {  	[hbm4b:s3+s4] =	stream.linear.scatter [tilespmem:s9], [sflag:$0x2], $0x18000, $0x38;
	[tilespmem:$0x1C080] =	vst v63  }
0xce: {  	_ =	swait.ge [sflag:s8], $0x18000  }
0xcf: {  	p0 =	sne.s32 s7, $0x1;
	[sflag:s8] =	ssyncset.done $0x0  }
.Ltmp0:
0xd0: {  	s3 =	rddreg [dreg:$0x6];
	[sflag:s8] =	ssyncadd.s32 $0xFFFE8000;
	(pc) =	sbr.rel @p0 .LBB2_1-.Ltmp0, $4  }
0xd1: {  	[hbm4b:s3+s4] =	stream.linear.scatter [tilespmem:s2], [sflag:$0x2], $0x4000, $0x38;
	[tilespmem:$0x1C080] =	vst v63  }
0xd2: {  	_ =	swait.ge [sflag:s8], $0x4000  }
0xd3: {  	[sflag:s8] =	ssyncset.done $0x0  }
0xd4: {  	s7 =	sadd.s32 $0xFFFFFFFF, s7;
	[sflag:s8] =	ssyncadd.s32 $0xFFFFC000  }
0xd5: {  	_ =	sfence.sel $0x180000  }
0xd6: {  	[bflag:$0x0] =	sbarrier.arrive $0xFFFF  }
0xd7: {  	_ =	strace $0x9000004A  }
0xd8: {  	s0 =	stileid.u32;
	[bflag:$0x2] =	sbarrier.arrive $0xFFFF  }
0xd9: {  	p0 =	sne.s32 s0, $0x0;
	s0 =	rddreg [dreg:$0x3]  }
0xda: {  	s0 =	sadd.s32 @!p0 $0x100000, s0  }
0xdb: {  	[sflag:s0] =	ssyncadd.tile.s32 @!p0 $0x1;
	_ =	shalt  }
.Lfunc_end2:
_tile_overlayer_lowered:
.L_overlay_start_2:
0xdc: {  	(tag) =	ssettag $0x2  }
0xdd: {  	s0 =	rddreg [dreg:$0x0];
	s2 =	stileid.u32  }
0xde: {  	s1 =	rddreg [dreg:$0x1];
	p0 =	sne.s32 s2, $0x0  }
0xdf: {  	s3 =	rddreg [dreg:$0x2];
	[bflag:$0x3] =	sbarrier.arrive $0xFFFF;
	s2 =	simm.s32 @!p0 $0x1C02  }
0xe0: {  	[timem:s3], [sflag:s2] =	dma.local @!p0 [hbm:s0], s1  }
0xe1: {  	s0 =	simm.s32 @!p0 $0x2  }
0xe2: {  	_ =	swait.ge @!p0 [sflag:s0], s1  }
0xe3: {  	s1 =	ssub.s32 @!p0 $0x0, s1;
	[sflag:s0] =	ssyncset.done @!p0 $0x0  }
0xe4: {  	[sflag:s0] =	ssyncadd.s32 @!p0 s1  }
0xe5: {  	[bflag:$0x3] =	sbarrier.arrive $0xFFFF  }
0xe6: {  	_ =	shalt  }

// kernel: kernel.9.cloned.1.call-start
scs
__scs_entry_jumppad:
0x0: {  	(pc) =	sbr.rel $0x88, $3  }
0x1: {  	(tag) =	ssettag $0x0;
	lr =	simm.s32 $0x1  }
0x2: {  	[smem:$0x3F9A] =	sst lr;
	_ =	strace $0xD0000000  }
0x3: {  	_ = 	snop  }
0x4: {  	_ = 	snop  }
0x5: {  	_ = 	snop  }
0x6: {  	_ = 	snop  }
0x7: {  	_ = 	snop  }
__scs_overlays_trampoline_lowered:
0x8: {  	[smem:$0x3FA9] =	sst s0  }
0x9: {  	[smem:$0x3FAA] =	sst s1  }
0xa: {  	[smem:$0x3FAB] =	sst s2  }
0xb: {  	[smem:$0x3FAC] =	sst s3  }
0xc: {  	[smem:$0x3FAD] =	sst s4  }
0xd: {  	[smem:$0x3FAE] =	sst s5  }
0xe: {  	[smem:$0x3FAF] =	sst s6  }
0xf: {  	[smem:$0x3FB0] =	sst s7  }
0x10: {  	[smem:$0x3FB1] =	sst s8  }
0x11: {  	[smem:$0x3FB2] =	sst s9;
	s0 =	simm.s32 @!p0 $0x0  }
0x12: {  	s1 =	sld [smem:$0x3F98];
	s0 =	simm.s32 @p0 $0x1  }
0x13: {  	[smem:$0x3FB3] =	sst s0;
	s0 =	simm.s32 @!p1 $0x0  }
0x14: {  	s2 =	sld [smem:$0x3F97];
	s0 =	simm.s32 @p1 $0x1  }
0x15: {  	[smem:$0x3FB4] =	sst s0;
	s0 =	simm.s32 @!p2 $0x0  }
0x16: {  	s3 =	sld [smem:$0x3FDB];
	s0 =	simm.s32 @p2 $0x1  }
0x17: {  	s4 =	simm.s32 $0x1BF5;
	[smem:$0x3FB6] =	sst s0  }
0x18: {  	s0 =	sld [smem:$0x3F99];
	_ =	swait.ge [sflag:s4], $0x0  }
0x19: {  	s7 =	sld [smem:$0x3F9A]  }
0x1a: {  	s8 =	sadd.s32 $0xFFFFE003, lr  }
0x1b: {  	s9 =	sadd.s32 $0xFFFFFEF7, lr;
	s5 =	simm.s32 $0xFFFFFFFF;
	p2 =	slt.u32 s8, $0xFFFFF086  }
0x1c: {  	p1 =	slt.u32 s9, $0xF7A;
	s5 =	simm.s32 @!p2 $0x0  }
0x1d: {  	s5 =	simm.s32 @p1 $0x1;
	p0 =	seq.s32 s7, s2  }
0x1e: {  	s7 =	smul.u32 @!p0 $0xF7A, s2;
	p2 =	seq.s32 @!p0 s5, $0x0  }
0x1f: {  	s9 =	smul.u32 $0xF7A, s1;
	s8 =	simm.s32 @!p0 $0x1BF5;
	p2 =	por !p2, p0  }
0x20: {  	[sflag:s8] =	ssyncset.s32 @!p0 $0xFFFFF086;
	s6 =	sadd.s32 @!p0 s3, s7;
	s7 =	simm.s32 @!p0 $0x108  }
0x21: {  	s3 =	sadd.s32 s3, s9;
	s6 =	sadd.s32 @!p0 $0x88, s6;
	s7 =	simm.s32 @p2 $0x1082  }
0x22: {  	[simem:s7], [sflag:s8] =	dma.local @!p0 [hbm:s6], $0xF7A  }
0x23: {  	s9 =	sor.u32 $0xD0000000, s2;
	s6 =	simm.s32 $0x108;
	_ =	swait.ge @!p0 [sflag:s8], $0x0  }
0x24: {  	s3 =	sadd.s32 $0x88, s3;
	s6 =	simm.s32 @!p1 $0x1082;
	[sflag:s4] =	ssyncset.s32 $0xFFFFF086  }
0x25: {  	[simem:s6], [sflag:s4] =	dma.local [hbm:s3], $0xF7A  }
0x26: {  	[smem:$0x3F9A] =	sst s1;
	(tag) =	ssettag s2;
	_ =	strace s9  }
0x27: {  	s1 =	sld [smem:$0x3FAA]  }
0x28: {  	s2 =	sld [smem:$0x3FAB]  }
0x29: {  	s4 =	sld [smem:$0x3FAD]  }
0x2a: {  	p0 =	seq.s32 s5, $0x0;
	s5 =	sld [smem:$0x3FAE]  }
0x2b: {  	s6 =	sld [smem:$0x3FAF]  }
0x2c: {  	s7 =	sld [smem:$0x3FB0]  }
0x2d: {  	s3 =	simm.s32 $0x108;
	s8 =	sld [smem:$0x3FB1]  }
0x2e: {  	s3 =	simm.s32 @!p0 $0x1082;
	s9 =	sld [smem:$0x3FB2]  }
0x2f: {  	lr =	sadd.s32 s0, s3;
	s0 =	sld [smem:$0x3FA9]  }
0x30: {  	s3 =	sld [smem:$0x3FAC]  }
0x31: {  	[smem:$0x3FB5] =	sst s10  }
0x32: {  	s10 =	sld [smem:$0x3FB3];
	_ =	sdelay $0x3  }
0x33: {  	p0 =	seq.s32 s10, $0x1;
	s10 =	sld [smem:$0x3FB5];
	_ =	sdelay $0x3  }
0x34: {  	[smem:$0x3FB5] =	sst s10  }
0x35: {  	s10 =	sld [smem:$0x3FB4];
	_ =	sdelay $0x3  }
0x36: {  	p1 =	seq.s32 s10, $0x1;
	s10 =	sld [smem:$0x3FB5];
	_ =	sdelay $0x3  }
0x37: {  	[smem:$0x3FB5] =	sst s10  }
0x38: {  	s10 =	sld [smem:$0x3FB6]  }
0x39: {  	_ = 	snop;
	(pc) =	sbr.ind lr, $3  }
0x3a: {  	_ = 	snop  }
0x3b: {  	_ = 	snop  }
0x3c: {  	p2 =	seq.s32 s10, $0x1;
	s10 =	sld [smem:$0x3FB5]  }
0x3d: {  	_ =	shalt  }
0x3e: {  	_ =	shalt  }
0x3f: {  	_ =	shalt  }
0x40: {  	_ =	shalt  }
0x41: {  	_ =	shalt  }
0x42: {  	_ =	shalt  }
0x43: {  	_ =	shalt  }
0x44: {  	_ =	shalt  }
0x45: {  	_ =	shalt  }
0x46: {  	_ =	shalt  }
0x47: {  	_ =	shalt  }
0x48: {  	_ =	shalt  }
0x49: {  	_ =	shalt  }
0x4a: {  	_ =	shalt  }
0x4b: {  	_ =	shalt  }
0x4c: {  	_ =	shalt  }
0x4d: {  	_ =	shalt  }
0x4e: {  	_ =	shalt  }
0x4f: {  	_ =	shalt  }
0x50: {  	_ =	shalt  }
0x51: {  	_ =	shalt  }
0x52: {  	_ =	shalt  }
0x53: {  	_ =	shalt  }
0x54: {  	_ =	shalt  }
0x55: {  	_ =	shalt  }
0x56: {  	_ =	shalt  }
0x57: {  	_ =	shalt  }
0x58: {  	_ =	shalt  }
0x59: {  	_ =	shalt  }
0x5a: {  	_ =	shalt  }
0x5b: {  	_ =	shalt  }
0x5c: {  	_ =	shalt  }
0x5d: {  	_ =	shalt  }
0x5e: {  	_ =	shalt  }
0x5f: {  	_ =	shalt  }
0x60: {  	_ =	shalt  }
0x61: {  	_ =	shalt  }
0x62: {  	_ =	shalt  }
0x63: {  	_ =	shalt  }
0x64: {  	_ =	shalt  }
0x65: {  	_ =	shalt  }
0x66: {  	_ =	shalt  }
0x67: {  	_ =	shalt  }
0x68: {  	_ =	shalt  }
0x69: {  	_ =	shalt  }
0x6a: {  	_ =	shalt  }
0x6b: {  	_ =	shalt  }
0x6c: {  	_ =	shalt  }
0x6d: {  	_ =	shalt  }
0x6e: {  	_ =	shalt  }
0x6f: {  	_ =	shalt  }
0x70: {  	_ =	shalt  }
0x71: {  	_ =	shalt  }
0x72: {  	_ =	shalt  }
0x73: {  	_ =	shalt  }
0x74: {  	_ =	shalt  }
0x75: {  	_ =	shalt  }
0x76: {  	_ =	shalt  }
0x77: {  	_ =	shalt  }
0x78: {  	_ =	shalt  }
0x79: {  	_ =	shalt  }
0x7a: {  	_ =	shalt  }
0x7b: {  	_ =	shalt  }
0x7c: {  	_ =	shalt  }
0x7d: {  	_ =	shalt  }
0x7e: {  	_ =	shalt  }
0x7f: {  	_ =	shalt  }
0x80: {  	_ =	shalt  }
0x81: {  	_ =	shalt  }
0x82: {  	_ =	shalt  }
0x83: {  	_ =	shalt  }
0x84: {  	_ =	shalt  }
0x85: {  	_ =	shalt  }
0x86: {  	_ =	shalt  }
0x87: {  	_ =	shalt  }
.Lfunc_end0:
.L_simem_size_0:
called_computation.2_lowered:
.L_overlay_start_0:
0x88: {  	s2 =	sld [smem:$0x3FD9]  }
0x89: {  	s3 =	sld [smem:$0x3FFE];
	_ =	sdelay $0x1  }
0x8a: {  	s1 =	srdreg.scid  }
0x8b: {  	s0 =	sand.u32 $0x1, s1  }
0x8c: {  	s17 =	sshll.u32 s0, $0xA;
	s2 =	sadd.s32 s3, s2  }
0x8d: {  	s2 =	sadd.s32 s2, s17  }
0x8e: {  	[smem:$0x3FC1] =	sst s2  }
0x8f: {  	_ = 	snop  }
0x90: {  	s2 =	sld [smem:$0x3FD0];
	(tm) =	ssettm $0x1  }
0x91: {  	s18 =	sld [smem:$0x3FFB];
	_ =	sdelay $0x3  }
0x92: {  	_ =	strace s18  }
0x93: {  	s3 =	sld [smem:$0x3FFC];
	_ =	sdelay $0x3  }
0x94: {  	_ =	strace s3  }
0x95: {  	s3 =	sld [smem:$0x3FFD];
	_ =	sdelay $0x3  }
0x96: {  	_ =	strace s3  }
0x97: {  	_ =	strace $0x8FFFFFFF  }
0x98: {  	s19 =	sld [smem:$0x3FDB];
	_ =	sdelay $0x1  }
0x99: {  	s4 =	simm.s32 $_scs_section_size  }
0x9a: {  	s5 =	simm.s32 $_size__tile_overlayer_lowered;
	s6 =	simm.s32 $_tile_overlayer_lowered  }
0x9b: {  	s22 =	simm.s32 $0x1BFF;
	s21 =	sshll.u32 s6, $0x1;
	s3 =	sadd.s32 s4, s19  }
0x9c: {  	s7 =	simm.s32 $0x0;
	s20 =	sshll.u32 s5, $0x1;
	s5 =	sadd.s32 s21, s3  }
0x9d: {  	[timem:s7], [sflag:s22] =	dma.local [hbm:s5], s20  }
0x9e: {  	_ =	swait.ge [sflag:s22], s20  }
0x9f: {  	s4 =	ssub.s32 $0x0, s20;
	[sflag:s22] =	ssyncset.done $0x0  }
0xa0: {  	[sflag:s22] =	ssyncadd.s32 s4;
	_ =	sdelay $0x1  }
0xa1: {  	s23 =	simm.s32 $0x1B8B  }
0xa2: {  	_ =	swait.ge [sflag:s23], $0x1  }
0xa3: {  	[sflag:s23] =	ssyncset.done $0x0  }
0xa4: {  	s25 =	simm.s32 $0x1B8E;
	s24 =	sld [smem:$0x3FFE];
	[sflag:s23] =	ssyncadd.s32 $0xFFFFFFFF  }
0xa5: {  	s26 =	simm.s32 $execute0_lowered;
	[smem:$0x3FD2] =	sst s25  }
0xa6: {  	s5 =	sshll.u32 s26, $0x1;
	_ =	strace $0x8000004C;
	[dreg:$0x1] =	wrdreg $0xFFFFFFFF  }
0xa7: {  	s28 =	simm.s32 $_size_execute0_lowered;
	s3 =	sadd.s32 s3, s5;
	[dreg:$0x0] =	wrdreg $0x0  }
0xa8: {  	s5 =	sshll.u32 s28, $0x1;
	[dreg:$0x2] =	wrdreg s3  }
0xa9: {  	[dreg:$0x3] =	wrdreg s5  }
0xaa: {  	[dreg:$0x4] =	wrdreg $0xC0  }
0xab: {  	_ =	task [dreg:s7], $0x5FFFF  }
0xac: {  	[dreg:$0x1] =	wrdreg $0xFFFFFFFF  }
0xad: {  	[dreg:$0x0] =	wrdreg $0x60  }
0xae: {  	[dreg:$0x2] =	wrdreg s24  }
0xaf: {  	[dreg:$0x3] =	wrdreg s2  }
0xb0: {  	[dreg:$0x4] =	wrdreg $0x9  }
0xb1: {  	_ =	task.clear_ibuf [dreg:s7], $0x5FFFF;
	_ =	strace $0x9000004C  }
0xb2: {  	s29 =	simm.s32 $0x9;
	_ =	strace $0x8000004E  }
0xb3: {  	_ =	swait.ge [sflag:s29], $0x1  }
0xb4: {  	[sflag:s29] =	ssyncadd.s32 $0xFFFFFFFF  }
0xb5: {  	_ =	strace $0x9000004E  }
0xb6: {  	_ =	sfence  }
0xb7: {  	s30 =	sld [smem:$0x0];
	_ =	sdelay $0x2  }
0xb8: {  	s31 =	sshll.u32 s1, $0xD;
	s1 =	sshrl.u32 s1, $0x2  }
0xb9: {  	s3 =	sand.u32 $0x4000, s31;
	s1 =	sadd.s32 s1, s30  }
0xba: {  	s0 =	sor.u32 s3, s0;
	s1 =	sshll.u32 s1, $0x11  }
0xbb: {  	s0 =	sor.u32 s1, s0  }
0xbc: {  	s0 =	sadd.s32 $0x8F2B, s0  }
0xbd: {  	[sflag:s0] =	ssyncadd.remote.s32 $0x1  }
0xbe: {  	_ =	sfence.sel $0xFFFF  }
0xbf: {  	[dreg:$0x0] =	wrdreg $0xFFFFFFFF;
	(pc) =	sbr.abs _section_cstart, $3  }
0xc0: {  	[dreg:$0x1] =	wrdreg $0xFFFFFFFF  }
0xc1: {  	_ =	task.clear_ibuf [dreg:s7], $0x2FFFF;
	_ =	strace $0x9FFFFFFF  }
0xc2: {  	(tm) =	ssettm $0x7FFFFFFF  }
0xc3: {  	_ =	shalt  }
tec
execute0_lowered:
.L_overlay_start_1:
0x0: {  	(tag) =	ssettag $0x1  }
0x1: {  	s1 =	srdreg.scid  }
0x2: {  	s0 =	stileid.u32;
	s1 =	sand.u32 $0x1, s1  }
0x3: {  	s4 =	rddreg [dreg:$0x0];
	s3 =	sshll.u32 s0, $0x5;
	s5 =	sshll.u32 s1, $0x4  }
0x4: {  	s2 =	rddreg [dreg:$0x1];
	s5 =	sor.u32 s5, s3;
	s3 =	simm.s32 $0x0  }
0x5: {  	s25 =	simm.s32 $0x880;
	[smem:$0x7FF] =	sst s3  }
0x6: {  	s26 =	simm.s32 $0x1080;
	_ =	strace $0x8000004D;
	[dreg:$0x5] =	wrdreg s25  }
0x7: {  	s0 =	simm.s32 $0x1880;
	[dreg:$0x6] =	wrdreg s26  }
0x8: {  	s7 =	simm.s32 $0x3080;
	[dreg:$0x7] =	wrdreg s0  }
0x9: {  	s8 =	simm.s32 $0x3880;
	[dreg:$0xa] =	wrdreg s7  }
0xa: {  	s9 =	simm.s32 $0x4080;
	[dreg:$0xb] =	wrdreg s8  }
0xb: {  	s10 =	simm.s32 $0x4880;
	[dreg:$0xc] =	wrdreg s9  }
0xc: {  	s11 =	simm.s32 $0x5080;
	[dreg:$0xd] =	wrdreg s10  }
0xd: {  	s12 =	simm.s32 $0x5880;
	s13 =	simm.s32 $0x6080;
	[dreg:$0xe] =	wrdreg s11  }
0xe: {  	s14 =	simm.s32 $0x6880;
	s15 =	simm.s32 $0x7080;
	[dreg:$0xf] =	wrdreg s12  }
0xf: {  	s16 =	simm.s32 $0x7880;
	s17 =	simm.s32 $0x8080;
	[dreg:$0x10] =	wrdreg s13  }
0x10: {  	s18 =	simm.s32 $0x8880;
	s19 =	simm.s32 $0x9080;
	[dreg:$0x11] =	wrdreg s14  }
0x11: {  	s21 =	simm.s32 $0x9880;
	s22 =	simm.s32 $0xA080;
	[dreg:$0x12] =	wrdreg s15  }
0x12: {  	s23 =	simm.s32 $0xA880;
	s24 =	simm.s32 $0xB880;
	[dreg:$0x13] =	wrdreg s16  }
0x13: {  	s28 =	simm.s32 $0x16080;
	s29 =	simm.s32 $0x16880;
	[dreg:$0x14] =	wrdreg s17  }
0x14: {  	s30 =	simm.s32 $0x17080;
	s1 =	ssub.s32 $0x2, s1;
	[dreg:$0x15] =	wrdreg s18  }
0x15: {  	s31 =	simm.s32 $0x17880;
	s20 =	sshrl.u32 s1, $0x1;
	[dreg:$0x16] =	wrdreg s19  }
0x16: {  	s6 =	smul.u32 $0x300, s5;
	s5 =	sadd.s32 s5, s4;
	[dreg:$0x17] =	wrdreg s21  }
0x17: {  	s1 =	ssub.s32 s1, s20;
	s20 =	simm.s32 $0x12880;
	[dreg:$0x18] =	wrdreg s22  }
0x18: {  	s5 =	sadd.s32 $0x10400, s5;
	[dreg:$0x19] =	wrdreg s23;
	s7 =	simm.s32 $0xB080  }
0x19: {  	[dreg:$0x1b] =	wrdreg s24;
	s25 =	simm.s32 $0xC080;
	s8 =	simm.s32 $0x80  }
0x1a: {  	s26 =	simm.s32 $0xC880;
	s10 =	simm.s32 $0xD880;
	s11 =	simm.s32 $0xE080  }
0x1b: {  	s12 =	simm.s32 $0xE880;
	s13 =	simm.s32 $0xF080;
	s14 =	simm.s32 $0xF880  }
0x1c: {  	s15 =	simm.s32 $0x10080;
	s16 =	simm.s32 $0x10880;
	s17 =	simm.s32 $0x11080  }
0x1d: {  	s18 =	simm.s32 $0x11880;
	s19 =	simm.s32 $0x12080;
	s21 =	simm.s32 $0x13080  }
0x1e: {  	s22 =	simm.s32 $0x13880;
	s23 =	simm.s32 $0x14080;
	[dreg:$0x3] =	wrdreg s5  }
0x1f: {  	s24 =	simm.s32 $0x14880;
	s4 =	sadd.s32 s6, s4;
	[dreg:$0x1a] =	wrdreg s7  }
0x20: {  	s5 =	simm.s32 $0x2080;
	s6 =	simm.s32 $0x2880;
	[dreg:$0x1c] =	wrdreg s25  }
0x21: {  	s7 =	simm.s32 $0x2;
	[dreg:$0x1d] =	wrdreg s26;
	s25 =	simm.s32 $0x15080  }
0x22: {  	v2 =	vlaneseq.u32;
	s26 =	simm.s32 $0x15880;
	s4 =	sadd.s32 $0x10600, s4;
	[dreg:$0x8] =	wrdreg s5  }
0x23: {  	vm0 =	vmmov $0xffff;
	v1 =	vshrl.u32 v2, $0x3;
	[dreg:$0x9] =	wrdreg s6;
	s5 =	sadd.s32 $0x200, s2;
	s6 =	smax.u32 s1, $0x1  }
0x24: {  	v0 =	vand.u32 $0x7, v2;
	v2 =	vor.u32 $0x8, v2;
	v1 =	vmul.u32 $0x8, v1;
	s1 =	simm.s32 $0x1;
	[dreg:$0x4] =	wrdreg s4;
	s4 =	sadd.s32 $0x100, s2  }
.LBB2_1:
0x25: {  	s0 =	rddreg [dreg:$0x3]  }
0x26: {  	[tilespmem:s3], [sflag:$0x2] =	stream.linear.gather [hbm4b:s0+s3], $0x80, $0x38;
	[tilespmem:$0x18080] =	vst v63  }
0x27: {  	_ =	swait.ge [sflag:s7], $0x80  }
0x28: {  	[sflag:s7] =	ssyncset.done $0x0  }
0x29: {  	s9 =	rddreg [dreg:$0x4];
	[sflag:s7] =	ssyncadd.s32 $0xFFFFFF80  }
0x2a: {  	[tilespmem:s8], [sflag:$0x2] =	stream.linear.gather [hbm4b:s9+s3], $0x18000, $0x38;
	[tilespmem:$0x18080] =	vst v63  }
0x2b: {  	_ =	swait.ge [sflag:s7], $0x18000  }
0x2c: {  	[sflag:s7] =	ssyncset.done $0x0  }
0x2d: {  	[sflag:s7] =	ssyncadd.s32 $0xFFFE8000  }
0x2e: {  	v3 =	vld [tilespmem:$0x0];
	_ =	sdelay $0x4  }
0x2f: {  	v4 =	vshrl.u32 v3, $0x3  }
0x30: {  	v4 =	vmul.u32 $0x30, v4  }
0x31: {  	v3 =	vand.u32 $0x7, v3  }
0x32: {  	v3 =	vor.u32 v3, v4  }
0x33: {  	v4 =	vperm.xlane v3, v0;
	_ =	sdelay $0x1  }
0x34: {  	v4 =	vadd.s32 v1, v4;
	_ =	sdelay $0x3  }
0x35: {  	v3 =	vperm.xlane v3, v2  }
0x36: {  	[hbm4b:s2+s3] =	stream.indirect_vreg.scatter [tilespmem:s8], [sflag:$0x1], $0x80, v4, vm0, $0xb8;
	[tilespmem:$0x18080] =	vst v63  }
0x37: {  	s0 =	rddreg [dreg:$0x5];
	v3 =	vadd.s32 v1, v3  }
0x38: {  	[hbm4b:s4+s3] =	stream.indirect_vreg.scatter [tilespmem:s0], [sflag:$0x1], $0x80, v4, vm0, $0xb8;
	[tilespmem:$0x18080] =	vst v63  }
0x39: {  	s9 =	rddreg [dreg:$0x6]  }
0x3a: {  	[hbm4b:s5+s3] =	stream.indirect_vreg.scatter [tilespmem:s9], [sflag:$0x1], $0x80, v4, vm0, $0xb8;
	[tilespmem:$0x18080] =	vst v63  }
0x3b: {  	s0 =	rddreg [dreg:$0x7]  }
0x3c: {  	[hbm4b:s2+s3] =	stream.indirect_vreg.scatter [tilespmem:s0], [sflag:$0x1], $0x80, v3, vm0, $0xb8;
	[tilespmem:$0x18080] =	vst v63  }
0x3d: {  	s9 =	rddreg [dreg:$0x8]  }
0x3e: {  	[hbm4b:s4+s3] =	stream.indirect_vreg.scatter [tilespmem:s9], [sflag:$0x1], $0x80, v3, vm0, $0xb8;
	[tilespmem:$0x18080] =	vst v63  }
0x3f: {  	s0 =	rddreg [dreg:$0x9]  }
0x40: {  	[hbm4b:s5+s3] =	stream.indirect_vreg.scatter [tilespmem:s0], [sflag:$0x1], $0x80, v3, vm0, $0xb8;
	[tilespmem:$0x18080] =	vst v63  }
0x41: {  	v3 =	vld [tilespmem:$0x10];
	_ =	sdelay $0x4  }
0x42: {  	v57 =	vshrl.u32 v3, $0x3  }
0x43: {  	v4 =	vmul.u32 $0x30, v57  }
0x44: {  	v3 =	vand.u32 $0x7, v3  }
0x45: {  	v3 =	vor.u32 v3, v4  }
0x46: {  	v4 =	vperm.xlane v3, v0;
	_ =	sdelay $0x1  }
0x47: {  	v4 =	vadd.s32 v1, v4;
	_ =	sdelay $0x3  }
0x48: {  	s0 =	rddreg [dreg:$0xa];
	v3 =	vperm.xlane v3, v2  }
0x49: {  	[hbm4b:s2+s3] =	stream.indirect_vreg.scatter [tilespmem:s0], [sflag:$0x1], $0x80, v4, vm0, $0xb8;
	[tilespmem:$0x18080] =	vst v63  }
0x4a: {  	s9 =	rddreg [dreg:$0xb];
	v3 =	vadd.s32 v1, v3  }
0x4b: {  	[hbm4b:s4+s3] =	stream.indirect_vreg.scatter [tilespmem:s9], [sflag:$0x1], $0x80, v4, vm0, $0xb8;
	[tilespmem:$0x18080] =	vst v63  }
0x4c: {  	s0 =	rddreg [dreg:$0xc]  }
0x4d: {  	[hbm4b:s5+s3] =	stream.indirect_vreg.scatter [tilespmem:s0], [sflag:$0x1], $0x80, v4, vm0, $0xb8;
	[tilespmem:$0x18080] =	vst v63  }
0x4e: {  	s9 =	rddreg [dreg:$0xd]  }
0x4f: {  	[hbm4b:s2+s3] =	stream.indirect_vreg.scatter [tilespmem:s9], [sflag:$0x1], $0x80, v3, vm0, $0xb8;
	[tilespmem:$0x18080] =	vst v63  }
0x50: {  	s0 =	rddreg [dreg:$0xe]  }
0x51: {  	[hbm4b:s4+s3] =	stream.indirect_vreg.scatter [tilespmem:s0], [sflag:$0x1], $0x80, v3, vm0, $0xb8;
	[tilespmem:$0x18080] =	vst v63  }
0x52: {  	s9 =	rddreg [dreg:$0xf]  }
0x53: {  	[hbm4b:s5+s3] =	stream.indirect_vreg.scatter [tilespmem:s9], [sflag:$0x1], $0x80, v3, vm0, $0xb8;
	[tilespmem:$0x18080] =	vst v63  }
0x54: {  	v3 =	vld [tilespmem:$0x20];
	_ =	sdelay $0x4  }
0x55: {  	v58 =	vshrl.u32 v3, $0x3  }
0x56: {  	v4 =	vmul.u32 $0x30, v58  }
0x57: {  	v3 =	vand.u32 $0x7, v3  }
0x58: {  	v3 =	vor.u32 v3, v4  }
0x59: {  	v4 =	vperm.xlane v3, v0;
	_ =	sdelay $0x1  }
0x5a: {  	v4 =	vadd.s32 v1, v4;
	_ =	sdelay $0x3  }
0x5b: {  	s0 =	rddreg [dreg:$0x10];
	v3 =	vperm.xlane v3, v2  }
0x5c: {  	[hbm4b:s2+s3] =	stream.indirect_vreg.scatter [tilespmem:s0], [sflag:$0x1], $0x80, v4, vm0, $0xb8;
	[tilespmem:$0x18080] =	vst v63  }
0x5d: {  	s9 =	rddreg [dreg:$0x11];
	v3 =	vadd.s32 v1, v3  }
0x5e: {  	[hbm4b:s4+s3] =	stream.indirect_vreg.scatter [tilespmem:s9], [sflag:$0x1], $0x80, v4, vm0, $0xb8;
	[tilespmem:$0x18080] =	vst v63  }
0x5f: {  	s0 =	rddreg [dreg:$0x12]  }
0x60: {  	[hbm4b:s5+s3] =	stream.indirect_vreg.scatter [tilespmem:s0], [sflag:$0x1], $0x80, v4, vm0, $0xb8;
	[tilespmem:$0x18080] =	vst v63  }
0x61: {  	s9 =	rddreg [dreg:$0x13]  }
0x62: {  	[hbm4b:s2+s3] =	stream.indirect_vreg.scatter [tilespmem:s9], [sflag:$0x1], $0x80, v3, vm0, $0xb8;
	[tilespmem:$0x18080] =	vst v63  }
0x63: {  	s0 =	rddreg [dreg:$0x14]  }
0x64: {  	[hbm4b:s4+s3] =	stream.indirect_vreg.scatter [tilespmem:s0], [sflag:$0x1], $0x80, v3, vm0, $0xb8;
	[tilespmem:$0x18080] =	vst v63  }
0x65: {  	s9 =	rddreg [dreg:$0x15]  }
0x66: {  	[hbm4b:s5+s3] =	stream.indirect_vreg.scatter [tilespmem:s9], [sflag:$0x1], $0x80, v3, vm0, $0xb8;
	[tilespmem:$0x18080] =	vst v63  }
0x67: {  	v3 =	vld [tilespmem:$0x30];
	_ =	sdelay $0x4  }
0x68: {  	v59 =	vshrl.u32 v3, $0x3  }
0x69: {  	v4 =	vmul.u32 $0x30, v59  }
0x6a: {  	v3 =	vand.u32 $0x7, v3  }
0x6b: {  	v3 =	vor.u32 v3, v4  }
0x6c: {  	v4 =	vperm.xlane v3, v0;
	_ =	sdelay $0x1  }
0x6d: {  	v4 =	vadd.s32 v1, v4;
	_ =	sdelay $0x3  }
0x6e: {  	s0 =	rddreg [dreg:$0x16];
	v3 =	vperm.xlane v3, v2  }
0x6f: {  	[hbm4b:s2+s3] =	stream.indirect_vreg.scatter [tilespmem:s0], [sflag:$0x1], $0x80, v4, vm0, $0xb8;
	[tilespmem:$0x18080] =	vst v63  }
0x70: {  	s9 =	rddreg [dreg:$0x17];
	v3 =	vadd.s32 v1, v3  }
0x71: {  	[hbm4b:s4+s3] =	stream.indirect_vreg.scatter [tilespmem:s9], [sflag:$0x1], $0x80, v4, vm0, $0xb8;
	[tilespmem:$0x18080] =	vst v63  }
0x72: {  	s0 =	rddreg [dreg:$0x18]  }
0x73: {  	[hbm4b:s5+s3] =	stream.indirect_vreg.scatter [tilespmem:s0], [sflag:$0x1], $0x80, v4, vm0, $0xb8;
	[tilespmem:$0x18080] =	vst v63  }
0x74: {  	s9 =	rddreg [dreg:$0x19]  }
0x75: {  	[hbm4b:s2+s3] =	stream.indirect_vreg.scatter [tilespmem:s9], [sflag:$0x1], $0x80, v3, vm0, $0xb8;
	[tilespmem:$0x18080] =	vst v63  }
0x76: {  	s0 =	rddreg [dreg:$0x1a]  }
0x77: {  	[hbm4b:s4+s3] =	stream.indirect_vreg.scatter [tilespmem:s0], [sflag:$0x1], $0x80, v3, vm0, $0xb8;
	[tilespmem:$0x18080] =	vst v63  }
0x78: {  	s9 =	rddreg [dreg:$0x1b]  }
0x79: {  	[hbm4b:s5+s3] =	stream.indirect_vreg.scatter [tilespmem:s9], [sflag:$0x1], $0x80, v3, vm0, $0xb8;
	[tilespmem:$0x18080] =	vst v63  }
0x7a: {  	v3 =	vld [tilespmem:$0x40];
	_ =	sdelay $0x4  }
0x7b: {  	v60 =	vshrl.u32 v3, $0x3  }
0x7c: {  	v4 =	vmul.u32 $0x30, v60  }
0x7d: {  	v3 =	vand.u32 $0x7, v3  }
0x7e: {  	v3 =	vor.u32 v3, v4  }
0x7f: {  	v4 =	vperm.xlane v3, v0;
	_ =	sdelay $0x1  }
0x80: {  	v4 =	vadd.s32 v1, v4;
	_ =	sdelay $0x3  }
0x81: {  	s0 =	rddreg [dreg:$0x1c];
	v3 =	vperm.xlane v3, v2  }
0x82: {  	[hbm4b:s2+s3] =	stream.indirect_vreg.scatter [tilespmem:s0], [sflag:$0x1], $0x80, v4, vm0, $0xb8;
	[tilespmem:$0x18080] =	vst v63  }
0x83: {  	s9 =	rddreg [dreg:$0x1d];
	v3 =	vadd.s32 v1, v3  }
0x84: {  	[hbm4b:s4+s3] =	stream.indirect_vreg.scatter [tilespmem:s9], [sflag:$0x1], $0x80, v4, vm0, $0xb8;
	[tilespmem:$0x18080] =	vst v63  }
0x85: {  	s9 =	simm.s32 $0xD080  }
0x86: {  	[hbm4b:s5+s3] =	stream.indirect_vreg.scatter [tilespmem:s9], [sflag:$0x1], $0x80, v4, vm0, $0xb8;
	[tilespmem:$0x18080] =	vst v63  }
0x87: {  	_ = 	snop  }
0x88: {  	[hbm4b:s2+s3] =	stream.indirect_vreg.scatter [tilespmem:s10], [sflag:$0x1], $0x80, v3, vm0, $0xb8;
	[tilespmem:$0x18080] =	vst v63  }
0x89: {  	_ = 	snop  }
0x8a: {  	[hbm4b:s4+s3] =	stream.indirect_vreg.scatter [tilespmem:s11], [sflag:$0x1], $0x80, v3, vm0, $0xb8;
	[tilespmem:$0x18080] =	vst v63  }
0x8b: {  	_ = 	snop  }
0x8c: {  	[hbm4b:s5+s3] =	stream.indirect_vreg.scatter [tilespmem:s12], [sflag:$0x1], $0x80, v3, vm0, $0xb8;
	[tilespmem:$0x18080] =	vst v63  }
0x8d: {  	v3 =	vld [tilespmem:$0x50];
	_ =	sdelay $0x4  }
0x8e: {  	v61 =	vshrl.u32 v3, $0x3  }
0x8f: {  	v4 =	vmul.u32 $0x30, v61  }
0x90: {  	v3 =	vand.u32 $0x7, v3  }
0x91: {  	v3 =	vor.u32 v3, v4  }
0x92: {  	v4 =	vperm.xlane v3, v0;
	_ =	sdelay $0x1  }
0x93: {  	v4 =	vadd.s32 v1, v4;
	_ =	sdelay $0x3  }
0x94: {  	v3 =	vperm.xlane v3, v2  }
0x95: {  	[hbm4b:s2+s3] =	stream.indirect_vreg.scatter [tilespmem:s13], [sflag:$0x1], $0x80, v4, vm0, $0xb8;
	[tilespmem:$0x18080] =	vst v63  }
0x96: {  	v3 =	vadd.s32 v1, v3  }
0x97: {  	[hbm4b:s4+s3] =	stream.indirect_vreg.scatter [tilespmem:s14], [sflag:$0x1], $0x80, v4, vm0, $0xb8;
	[tilespmem:$0x18080] =	vst v63  }
0x98: {  	_ = 	snop  }
0x99: {  	[hbm4b:s5+s3] =	stream.indirect_vreg.scatter [tilespmem:s15], [sflag:$0x1], $0x80, v4, vm0, $0xb8;
	[tilespmem:$0x18080] =	vst v63  }
0x9a: {  	_ = 	snop  }
0x9b: {  	[hbm4b:s2+s3] =	stream.indirect_vreg.scatter [tilespmem:s16], [sflag:$0x1], $0x80, v3, vm0, $0xb8;
	[tilespmem:$0x18080] =	vst v63  }
0x9c: {  	_ = 	snop  }
0x9d: {  	[hbm4b:s4+s3] =	stream.indirect_vreg.scatter [tilespmem:s17], [sflag:$0x1], $0x80, v3, vm0, $0xb8;
	[tilespmem:$0x18080] =	vst v63  }
0x9e: {  	_ = 	snop  }
0x9f: {  	[hbm4b:s5+s3] =	stream.indirect_vreg.scatter [tilespmem:s18], [sflag:$0x1], $0x80, v3, vm0, $0xb8;
	[tilespmem:$0x18080] =	vst v63  }
0xa0: {  	v3 =	vld [tilespmem:$0x60];
	_ =	sdelay $0x4  }
0xa1: {  	v62 =	vshrl.u32 v3, $0x3  }
0xa2: {  	v4 =	vmul.u32 $0x30, v62  }
0xa3: {  	v3 =	vand.u32 $0x7, v3  }
0xa4: {  	v3 =	vor.u32 v3, v4  }
0xa5: {  	v4 =	vperm.xlane v3, v0;
	_ =	sdelay $0x1  }
0xa6: {  	v4 =	vadd.s32 v1, v4;
	_ =	sdelay $0x3  }
0xa7: {  	v3 =	vperm.xlane v3, v2  }
0xa8: {  	[hbm4b:s2+s3] =	stream.indirect_vreg.scatter [tilespmem:s19], [sflag:$0x1], $0x80, v4, vm0, $0xb8;
	[tilespmem:$0x18080] =	vst v63  }
0xa9: {  	v3 =	vadd.s32 v1, v3  }
0xaa: {  	[hbm4b:s4+s3] =	stream.indirect_vreg.scatter [tilespmem:s20], [sflag:$0x1], $0x80, v4, vm0, $0xb8;
	[tilespmem:$0x18080] =	vst v63  }
0xab: {  	_ = 	snop  }
0xac: {  	[hbm4b:s5+s3] =	stream.indirect_vreg.scatter [tilespmem:s21], [sflag:$0x1], $0x80, v4, vm0, $0xb8;
	[tilespmem:$0x18080] =	vst v63  }
0xad: {  	_ = 	snop  }
0xae: {  	[hbm4b:s2+s3] =	stream.indirect_vreg.scatter [tilespmem:s22], [sflag:$0x1], $0x80, v3, vm0, $0xb8;
	[tilespmem:$0x18080] =	vst v63  }
0xaf: {  	_ = 	snop  }
0xb0: {  	[hbm4b:s4+s3] =	stream.indirect_vreg.scatter [tilespmem:s23], [sflag:$0x1], $0x80, v3, vm0, $0xb8;
	[tilespmem:$0x18080] =	vst v63  }
0xb1: {  	_ = 	snop  }
0xb2: {  	[hbm4b:s5+s3] =	stream.indirect_vreg.scatter [tilespmem:s24], [sflag:$0x1], $0x80, v3, vm0, $0xb8;
	[tilespmem:$0x18080] =	vst v63  }
0xb3: {  	v3 =	vld [tilespmem:$0x70];
	_ =	sdelay $0x4  }
0xb4: {  	v63 =	vshrl.u32 v3, $0x3  }
0xb5: {  	v4 =	vmul.u32 $0x30, v63  }
0xb6: {  	v3 =	vand.u32 $0x7, v3  }
0xb7: {  	v3 =	vor.u32 v3, v4  }
0xb8: {  	v4 =	vperm.xlane v3, v0;
	_ =	sdelay $0x1  }
0xb9: {  	v4 =	vadd.s32 v1, v4;
	_ =	sdelay $0x3  }
0xba: {  	v3 =	vperm.xlane v3, v2  }
0xbb: {  	[hbm4b:s2+s3] =	stream.indirect_vreg.scatter [tilespmem:s25], [sflag:$0x1], $0x80, v4, vm0, $0xb8;
	[tilespmem:$0x18080] =	vst v63  }
0xbc: {  	v3 =	vadd.s32 v1, v3  }
0xbd: {  	[hbm4b:s4+s3] =	stream.indirect_vreg.scatter [tilespmem:s26], [sflag:$0x1], $0x80, v4, vm0, $0xb8;
	[tilespmem:$0x18080] =	vst v63  }
0xbe: {  	_ = 	snop  }
0xbf: {  	[hbm4b:s5+s3] =	stream.indirect_vreg.scatter [tilespmem:s28], [sflag:$0x1], $0x80, v4, vm0, $0xb8;
	[tilespmem:$0x18080] =	vst v63  }
0xc0: {  	_ = 	snop  }
0xc1: {  	[hbm4b:s2+s3] =	stream.indirect_vreg.scatter [tilespmem:s29], [sflag:$0x1], $0x80, v3, vm0, $0xb8;
	[tilespmem:$0x18080] =	vst v63  }
0xc2: {  	p0 =	sne.s32 s6, $0x1  }
0xc3: {  	[hbm4b:s4+s3] =	stream.indirect_vreg.scatter [tilespmem:s30], [sflag:$0x1], $0x80, v3, vm0, $0xb8;
	[tilespmem:$0x18080] =	vst v63  }
.Ltmp0:
0xc4: {  	_ = 	snop;
	(pc) =	sbr.rel @p0 .LBB2_1-.Ltmp0, $4  }
0xc5: {  	[hbm4b:s5+s3] =	stream.indirect_vreg.scatter [tilespmem:s31], [sflag:$0x1], $0x80, v3, vm0, $0xb8;
	[tilespmem:$0x18080] =	vst v63  }
0xc6: {  	_ =	swait.ge [sflag:s1], $0x18000  }
0xc7: {  	[sflag:s1] =	ssyncset.done $0x0  }
0xc8: {  	s6 =	sadd.s32 $0xFFFFFFFF, s6;
	[sflag:s1] =	ssyncadd.s32 $0xFFFE8000  }
0xc9: {  	_ =	sfence.sel $0x180000  }
0xca: {  	[bflag:$0x0] =	sbarrier.arrive $0xFFFF  }
0xcb: {  	_ =	strace $0x9000004D  }
0xcc: {  	s0 =	stileid.u32;
	[bflag:$0x2] =	sbarrier.arrive $0xFFFF  }
0xcd: {  	p0 =	sne.s32 s0, $0x0;
	s0 =	rddreg [dreg:$0x2]  }
0xce: {  	s0 =	sadd.s32 @!p0 $0x100000, s0  }
0xcf: {  	[sflag:s0] =	ssyncadd.tile.s32 @!p0 $0x1;
	_ =	shalt  }
.Lfunc_end2:
_tile_overlayer_lowered:
.L_overlay_start_2:
0xd0: {  	(tag) =	ssettag $0x2  }
0xd1: {  	s0 =	rddreg [dreg:$0x0];
	s2 =	stileid.u32  }
0xd2: {  	s1 =	rddreg [dreg:$0x1];
	p0 =	sne.s32 s2, $0x0  }
0xd3: {  	s3 =	rddreg [dreg:$0x2];
	[bflag:$0x3] =	sbarrier.arrive $0xFFFF;
	s2 =	simm.s32 @!p0 $0x1C02  }
0xd4: {  	[timem:s3], [sflag:s2] =	dma.local @!p0 [hbm:s0], s1  }
0xd5: {  	s0 =	simm.s32 @!p0 $0x2  }
0xd6: {  	_ =	swait.ge @!p0 [sflag:s0], s1  }
0xd7: {  	s1 =	ssub.s32 @!p0 $0x0, s1;
	[sflag:s0] =	ssyncset.done @!p0 $0x0  }
0xd8: {  	[sflag:s0] =	ssyncadd.s32 @!p0 s1  }
0xd9: {  	[bflag:$0x3] =	sbarrier.arrive $0xFFFF  }
0xda: {  	_ =	shalt  }

// kernel: scatter_offload_async_start
scs
__scs_entry_jumppad:
0x0: {  	(pc) =	sbr.rel $0x88, $3  }
0x1: {  	(tag) =	ssettag $0x0;
	lr =	simm.s32 $0x1  }
0x2: {  	[smem:$0x3F9A] =	sst lr;
	_ =	strace $0xD0000000  }
0x3: {  	_ = 	snop  }
0x4: {  	_ = 	snop  }
0x5: {  	_ = 	snop  }
0x6: {  	_ = 	snop  }
0x7: {  	_ = 	snop  }
__scs_overlays_trampoline_lowered:
0x8: {  	[smem:$0x3FA9] =	sst s0  }
0x9: {  	[smem:$0x3FAA] =	sst s1  }
0xa: {  	[smem:$0x3FAB] =	sst s2  }
0xb: {  	[smem:$0x3FAC] =	sst s3  }
0xc: {  	[smem:$0x3FAD] =	sst s4  }
0xd: {  	[smem:$0x3FAE] =	sst s5  }
0xe: {  	[smem:$0x3FAF] =	sst s6  }
0xf: {  	[smem:$0x3FB0] =	sst s7  }
0x10: {  	[smem:$0x3FB1] =	sst s8  }
0x11: {  	[smem:$0x3FB2] =	sst s9;
	s0 =	simm.s32 @!p0 $0x0  }
0x12: {  	s1 =	sld [smem:$0x3F98];
	s0 =	simm.s32 @p0 $0x1  }
0x13: {  	[smem:$0x3FB3] =	sst s0;
	s0 =	simm.s32 @!p1 $0x0  }
0x14: {  	s2 =	sld [smem:$0x3F97];
	s0 =	simm.s32 @p1 $0x1  }
0x15: {  	[smem:$0x3FB4] =	sst s0;
	s0 =	simm.s32 @!p2 $0x0  }
0x16: {  	s3 =	sld [smem:$0x3FDB];
	s0 =	simm.s32 @p2 $0x1  }
0x17: {  	s4 =	simm.s32 $0x1BF5;
	[smem:$0x3FB6] =	sst s0  }
0x18: {  	s0 =	sld [smem:$0x3F99];
	_ =	swait.ge [sflag:s4], $0x0  }
0x19: {  	s7 =	sld [smem:$0x3F9A]  }
0x1a: {  	s8 =	sadd.s32 $0xFFFFE003, lr  }
0x1b: {  	s9 =	sadd.s32 $0xFFFFFEF7, lr;
	s5 =	simm.s32 $0xFFFFFFFF;
	p2 =	slt.u32 s8, $0xFFFFF086  }
0x1c: {  	p1 =	slt.u32 s9, $0xF7A;
	s5 =	simm.s32 @!p2 $0x0  }
0x1d: {  	s5 =	simm.s32 @p1 $0x1;
	p0 =	seq.s32 s7, s2  }
0x1e: {  	s7 =	smul.u32 @!p0 $0xF7A, s2;
	p2 =	seq.s32 @!p0 s5, $0x0  }
0x1f: {  	s9 =	smul.u32 $0xF7A, s1;
	s8 =	simm.s32 @!p0 $0x1BF5;
	p2 =	por !p2, p0  }
0x20: {  	[sflag:s8] =	ssyncset.s32 @!p0 $0xFFFFF086;
	s6 =	sadd.s32 @!p0 s3, s7;
	s7 =	simm.s32 @!p0 $0x108  }
0x21: {  	s3 =	sadd.s32 s3, s9;
	s6 =	sadd.s32 @!p0 $0x88, s6;
	s7 =	simm.s32 @p2 $0x1082  }
0x22: {  	[simem:s7], [sflag:s8] =	dma.local @!p0 [hbm:s6], $0xF7A  }
0x23: {  	s9 =	sor.u32 $0xD0000000, s2;
	s6 =	simm.s32 $0x108;
	_ =	swait.ge @!p0 [sflag:s8], $0x0  }
0x24: {  	s3 =	sadd.s32 $0x88, s3;
	s6 =	simm.s32 @!p1 $0x1082;
	[sflag:s4] =	ssyncset.s32 $0xFFFFF086  }
0x25: {  	[simem:s6], [sflag:s4] =	dma.local [hbm:s3], $0xF7A  }
0x26: {  	[smem:$0x3F9A] =	sst s1;
	(tag) =	ssettag s2;
	_ =	strace s9  }
0x27: {  	s1 =	sld [smem:$0x3FAA]  }
0x28: {  	s2 =	sld [smem:$0x3FAB]  }
0x29: {  	s4 =	sld [smem:$0x3FAD]  }
0x2a: {  	p0 =	seq.s32 s5, $0x0;
	s5 =	sld [smem:$0x3FAE]  }
0x2b: {  	s6 =	sld [smem:$0x3FAF]  }
0x2c: {  	s7 =	sld [smem:$0x3FB0]  }
0x2d: {  	s3 =	simm.s32 $0x108;
	s8 =	sld [smem:$0x3FB1]  }
0x2e: {  	s3 =	simm.s32 @!p0 $0x1082;
	s9 =	sld [smem:$0x3FB2]  }
0x2f: {  	lr =	sadd.s32 s0, s3;
	s0 =	sld [smem:$0x3FA9]  }
0x30: {  	s3 =	sld [smem:$0x3FAC]  }
0x31: {  	[smem:$0x3FB5] =	sst s10  }
0x32: {  	s10 =	sld [smem:$0x3FB3];
	_ =	sdelay $0x3  }
0x33: {  	p0 =	seq.s32 s10, $0x1;
	s10 =	sld [smem:$0x3FB5];
	_ =	sdelay $0x3  }
0x34: {  	[smem:$0x3FB5] =	sst s10  }
0x35: {  	s10 =	sld [smem:$0x3FB4];
	_ =	sdelay $0x3  }
0x36: {  	p1 =	seq.s32 s10, $0x1;
	s10 =	sld [smem:$0x3FB5];
	_ =	sdelay $0x3  }
0x37: {  	[smem:$0x3FB5] =	sst s10  }
0x38: {  	s10 =	sld [smem:$0x3FB6]  }
0x39: {  	_ = 	snop;
	(pc) =	sbr.ind lr, $3  }
0x3a: {  	_ = 	snop  }
0x3b: {  	_ = 	snop  }
0x3c: {  	p2 =	seq.s32 s10, $0x1;
	s10 =	sld [smem:$0x3FB5]  }
0x3d: {  	_ =	shalt  }
0x3e: {  	_ =	shalt  }
0x3f: {  	_ =	shalt  }
0x40: {  	_ =	shalt  }
0x41: {  	_ =	shalt  }
0x42: {  	_ =	shalt  }
0x43: {  	_ =	shalt  }
0x44: {  	_ =	shalt  }
0x45: {  	_ =	shalt  }
0x46: {  	_ =	shalt  }
0x47: {  	_ =	shalt  }
0x48: {  	_ =	shalt  }
0x49: {  	_ =	shalt  }
0x4a: {  	_ =	shalt  }
0x4b: {  	_ =	shalt  }
0x4c: {  	_ =	shalt  }
0x4d: {  	_ =	shalt  }
0x4e: {  	_ =	shalt  }
0x4f: {  	_ =	shalt  }
0x50: {  	_ =	shalt  }
0x51: {  	_ =	shalt  }
0x52: {  	_ =	shalt  }
0x53: {  	_ =	shalt  }
0x54: {  	_ =	shalt  }
0x55: {  	_ =	shalt  }
0x56: {  	_ =	shalt  }
0x57: {  	_ =	shalt  }
0x58: {  	_ =	shalt  }
0x59: {  	_ =	shalt  }
0x5a: {  	_ =	shalt  }
0x5b: {  	_ =	shalt  }
0x5c: {  	_ =	shalt  }
0x5d: {  	_ =	shalt  }
0x5e: {  	_ =	shalt  }
0x5f: {  	_ =	shalt  }
0x60: {  	_ =	shalt  }
0x61: {  	_ =	shalt  }
0x62: {  	_ =	shalt  }
0x63: {  	_ =	shalt  }
0x64: {  	_ =	shalt  }
0x65: {  	_ =	shalt  }
0x66: {  	_ =	shalt  }
0x67: {  	_ =	shalt  }
0x68: {  	_ =	shalt  }
0x69: {  	_ =	shalt  }
0x6a: {  	_ =	shalt  }
0x6b: {  	_ =	shalt  }
0x6c: {  	_ =	shalt  }
0x6d: {  	_ =	shalt  }
0x6e: {  	_ =	shalt  }
0x6f: {  	_ =	shalt  }
0x70: {  	_ =	shalt  }
0x71: {  	_ =	shalt  }
0x72: {  	_ =	shalt  }
0x73: {  	_ =	shalt  }
0x74: {  	_ =	shalt  }
0x75: {  	_ =	shalt  }
0x76: {  	_ =	shalt  }
0x77: {  	_ =	shalt  }
0x78: {  	_ =	shalt  }
0x79: {  	_ =	shalt  }
0x7a: {  	_ =	shalt  }
0x7b: {  	_ =	shalt  }
0x7c: {  	_ =	shalt  }
0x7d: {  	_ =	shalt  }
0x7e: {  	_ =	shalt  }
0x7f: {  	_ =	shalt  }
0x80: {  	_ =	shalt  }
0x81: {  	_ =	shalt  }
0x82: {  	_ =	shalt  }
0x83: {  	_ =	shalt  }
0x84: {  	_ =	shalt  }
0x85: {  	_ =	shalt  }
0x86: {  	_ =	shalt  }
0x87: {  	_ =	shalt  }
.Lfunc_end0:
.L_simem_size_0:
called_computation_lowered:
.L_overlay_start_0:
0x88: {  	s0 =	sld [smem:$0x3FD9]  }
0x89: {  	s1 =	sld [smem:$0x3FFE];
	_ =	sdelay $0x3  }
0x8a: {  	s0 =	sadd.s32 s1, s0  }
0x8b: {  	[smem:$0x3FC1] =	sst s0  }
0x8c: {  	_ = 	snop  }
0x8d: {  	(tm) =	ssettm $0x1  }
0x8e: {  	s15 =	sld [smem:$0x3FFB];
	_ =	sdelay $0x3  }
0x8f: {  	_ =	strace s15  }
0x90: {  	s0 =	sld [smem:$0x3FFC];
	_ =	sdelay $0x3  }
0x91: {  	_ =	strace s0  }
0x92: {  	s0 =	sld [smem:$0x3FFD];
	_ =	sdelay $0x3  }
0x93: {  	_ =	strace s0  }
0x94: {  	_ =	strace $0x8FFFFFFF  }
0x95: {  	s16 =	sld [smem:$0x3FDB];
	_ =	sdelay $0x1  }
0x96: {  	s17 =	simm.s32 $_scs_section_size  }
0x97: {  	s2 =	simm.s32 $_size__tile_overlayer_lowered;
	s3 =	simm.s32 $_tile_overlayer_lowered  }
0x98: {  	s20 =	simm.s32 $0x1BFF;
	s19 =	sshll.u32 s3, $0x1;
	s0 =	sadd.s32 s17, s16  }
0x99: {  	s4 =	simm.s32 $0x0;
	s18 =	sshll.u32 s2, $0x1;
	s2 =	sadd.s32 s19, s0  }
0x9a: {  	[timem:s4], [sflag:s20] =	dma.local [hbm:s2], s18  }
0x9b: {  	_ =	swait.ge [sflag:s20], s18  }
0x9c: {  	s1 =	ssub.s32 $0x0, s18;
	[sflag:s20] =	ssyncset.done $0x0  }
0x9d: {  	[sflag:s20] =	ssyncadd.s32 s1;
	_ =	sdelay $0x1  }
0x9e: {  	s21 =	simm.s32 $0x1B8B  }
0x9f: {  	_ =	swait.ge [sflag:s21], $0x1  }
0xa0: {  	[sflag:s21] =	ssyncset.done $0x0  }
0xa1: {  	s23 =	simm.s32 $0x1B8E;
	s22 =	sld [smem:$0x3FFE];
	[sflag:s21] =	ssyncadd.s32 $0xFFFFFFFF  }
0xa2: {  	s24 =	simm.s32 $execute0_lowered;
	[smem:$0x3FD2] =	sst s23  }
0xa3: {  	s2 =	sshll.u32 s24, $0x1;
	_ =	strace $0x80000046;
	[dreg:$0x1] =	wrdreg $0xFFFFFFFF  }
0xa4: {  	s25 =	simm.s32 $_size_execute0_lowered;
	s0 =	sadd.s32 s0, s2;
	[dreg:$0x0] =	wrdreg $0x0  }
0xa5: {  	s2 =	sshll.u32 s25, $0x1;
	[dreg:$0x2] =	wrdreg s0  }
0xa6: {  	[dreg:$0x3] =	wrdreg s2  }
0xa7: {  	[dreg:$0x4] =	wrdreg $0xC0  }
0xa8: {  	_ =	task [dreg:s4], $0x5FFFF  }
0xa9: {  	[dreg:$0x1] =	wrdreg $0xFFFFFFFF  }
0xaa: {  	[dreg:$0x0] =	wrdreg $0x60  }
0xab: {  	[dreg:$0x2] =	wrdreg s22  }
0xac: {  	[dreg:$0x3] =	wrdreg $0x9  }
0xad: {  	_ =	task.clear_ibuf [dreg:s4], $0x4FFFF;
	_ =	strace $0x90000046  }
0xae: {  	s26 =	simm.s32 $0x9;
	_ =	strace $0x80000048  }
0xaf: {  	_ =	swait.ge [sflag:s26], $0x1  }
0xb0: {  	[sflag:s26] =	ssyncadd.s32 $0xFFFFFFFF  }
0xb1: {  	_ =	strace $0x90000048  }
0xb2: {  	_ =	sfence  }
0xb3: {  	s28 =	sld [smem:$0x0];
	_ =	sdelay $0x1  }
0xb4: {  	s29 =	srdreg.scid  }
0xb5: {  	s30 =	sshll.u32 s29, $0xD;
	s31 =	sshrl.u32 s29, $0x2  }
0xb6: {  	s1 =	sand.u32 $0x1, s29;
	s2 =	sand.u32 $0x4000, s30;
	s0 =	sadd.s32 s31, s28  }
0xb7: {  	s1 =	sor.u32 s2, s1;
	s0 =	sshll.u32 s0, $0x11  }
0xb8: {  	s0 =	sor.u32 s0, s1  }
0xb9: {  	s0 =	sadd.s32 $0x8F2B, s0  }
0xba: {  	[sflag:s0] =	ssyncadd.remote.s32 $0x1  }
0xbb: {  	_ =	sfence.sel $0xFFFF  }
0xbc: {  	[dreg:$0x0] =	wrdreg $0xFFFFFFFF;
	(pc) =	sbr.abs _section_cstart, $3  }
0xbd: {  	[dreg:$0x1] =	wrdreg $0xFFFFFFFF  }
0xbe: {  	_ =	task.clear_ibuf [dreg:s4], $0x2FFFF;
	_ =	strace $0x9FFFFFFF  }
0xbf: {  	(tm) =	ssettm $0x7FFFFFFF  }
tec
execute0_lowered:
.L_overlay_start_1:
0x0: {  	(tag) =	ssettag $0x1  }
0x1: {  	s5 =	rddreg [dreg:$0x0]  }
0x2: {  	s0 =	rddreg [dreg:$0x1];
	_ =	strace $0x80000047;
	s6 =	stileid.u32  }
0x3: {  	s3 =	simm.s32 $0x3E;
	s1 =	sadd.s32 $0x10600, s5;
	p0 =	sne.s32 s6, $0x0  }
0x4: {  	[sflag:s3] =	ssyncpa.u1 $0x0;
	s4 =	simm.s32 @!p0 $0x1C3E;
	s2 =	simm.s32 @!p0 $0x0  }
0x5: {  	[spmem:s2], [sflag:s4] =	dma.local @!p0 [hbm:s1], $0x10  }
0x6: {  	s4 =	simm.s32 @!p0 $0x3E  }
0x7: {  	_ =	swait.ge @!p0 [sflag:s4], $0x10  }
0x8: {  	[sflag:s4] =	ssyncset.done @!p0 $0x0  }
0x9: {  	s9 =	simm.s32 $0x108;
	[sflag:s4] =	ssyncadd.s32 @!p0 $0xFFFFFFF0  }
0xa: {  	s7 =	sadd.s32 $0x10000, s5;
	s8 =	sadd.s32 $0x10800, s5;
	[bflag:$0x0] =	sbarrier.arrive $0xFFFF  }
0xb: {  	s6 =	sshll.u32 s6, $0x5;
	[sflag:s3] =	ssyncpa.u1 $0x1;
	s3 =	simm.s32 $0x1  }
0xc: {  	s5 =	simm.s32 $0x0;
	s4 =	simm.s32 $0x2;
	[sflag:s3] =	ssyncpa.u1 $0x0  }
0xd: {  	s7 =	sadd.s32 s7, s6;
	(ifvalue) =	ssetifvalue $0x80;
	[sflag:s4] =	ssyncpa.u1 $0x0  }
0xe: {  	[tilespmem:s9], [sflag:$0x2] =	stream.linear.gather [hbm4b:s7+s5], $0x100, $0x38;
	[tilespmem:$0x408] =	vst v63  }
0xf: {  	s23 =	simm.s32 $0x308;
	s6 =	sadd.s32 s8, s6  }
0x10: {  	[tilespmem:s23], [sflag:$0x2] =	stream.linear.gather [hbm4b:s6+s5], $0x100, $0x38;
	[tilespmem:$0x408] =	vst v63  }
0x11: {  	_ =	swait.ge [sflag:s4], $0x200  }
0x12: {  	[sflag:s4] =	ssyncset.done $0x0  }
0x13: {  	[sflag:s4] =	ssyncadd.s32 $0xFFFFFE00  }
0x14: {  	v0 =	vld.msk [tilespmem:s9+$0x0 ss:$0x1], $0xffff;
	_ =	sdelay $0x4  }
0x15: {  	v0 =	vmin.u32 v0, $0x80;
	_ =	sdelay $0x3  }
0x16: {  	vm0 =	vmmov $0xffff;
	s24 =	simm.s32 $0x118  }
0x17: {  	[spmem:s5] =	stream.indirect_vreg.scatter.add.s32 [tilespmem:s23], [sflag:$0x1], $0x1, v0, vm0, $0x4038;
	[tilespmem:$0x408] =	vst v63  }
0x18: {  	v0 =	vld.msk [tilespmem:s24+$0x0 ss:$0x1], $0xffff;
	_ =	sdelay $0x4  }
0x19: {  	v0 =	vmin.u32 v0, $0x80;
	_ =	sdelay $0x3  }
0x1a: {  	s25 =	simm.s32 $0x318;
	s26 =	simm.s32 $0x128  }
0x1b: {  	[spmem:s5] =	stream.indirect_vreg.scatter.add.s32 [tilespmem:s25], [sflag:$0x1], $0x1, v0, vm0, $0x4038;
	[tilespmem:$0x408] =	vst v63  }
0x1c: {  	v0 =	vld.msk [tilespmem:s26+$0x0 ss:$0x1], $0xffff;
	_ =	sdelay $0x4  }
0x1d: {  	v0 =	vmin.u32 v0, $0x80;
	_ =	sdelay $0x3  }
0x1e: {  	s28 =	simm.s32 $0x328;
	s29 =	simm.s32 $0x138  }
0x1f: {  	[spmem:s5] =	stream.indirect_vreg.scatter.add.s32 [tilespmem:s28], [sflag:$0x1], $0x1, v0, vm0, $0x4038;
	[tilespmem:$0x408] =	vst v63  }
0x20: {  	v0 =	vld.msk [tilespmem:s29+$0x0 ss:$0x1], $0xffff;
	_ =	sdelay $0x4  }
0x21: {  	v0 =	vmin.u32 v0, $0x80;
	_ =	sdelay $0x3  }
0x22: {  	s30 =	simm.s32 $0x338;
	s31 =	simm.s32 $0x148  }
0x23: {  	[spmem:s5] =	stream.indirect_vreg.scatter.add.s32 [tilespmem:s30], [sflag:$0x1], $0x1, v0, vm0, $0x4038;
	[tilespmem:$0x408] =	vst v63  }
0x24: {  	v0 =	vld.msk [tilespmem:s31+$0x0 ss:$0x1], $0xffff;
	_ =	sdelay $0x4  }
0x25: {  	v0 =	vmin.u32 v0, $0x80;
	_ =	sdelay $0x3  }
0x26: {  	s8 =	simm.s32 $0x158;
	s7 =	simm.s32 $0x348  }
0x27: {  	[spmem:s5] =	stream.indirect_vreg.scatter.add.s32 [tilespmem:s7], [sflag:$0x1], $0x1, v0, vm0, $0x4038;
	[tilespmem:$0x408] =	vst v63  }
0x28: {  	v0 =	vld.msk [tilespmem:s8+$0x0 ss:$0x1], $0xffff;
	_ =	sdelay $0x4  }
0x29: {  	v0 =	vmin.u32 v0, $0x80;
	_ =	sdelay $0x3  }
0x2a: {  	s10 =	simm.s32 $0x168;
	s9 =	simm.s32 $0x358  }
0x2b: {  	[spmem:s5] =	stream.indirect_vreg.scatter.add.s32 [tilespmem:s9], [sflag:$0x1], $0x1, v0, vm0, $0x4038;
	[tilespmem:$0x408] =	vst v63  }
0x2c: {  	v0 =	vld.msk [tilespmem:s10+$0x0 ss:$0x1], $0xffff;
	_ =	sdelay $0x4  }
0x2d: {  	v0 =	vmin.u32 v0, $0x80;
	_ =	sdelay $0x3  }
0x2e: {  	s11 =	simm.s32 $0x368;
	s12 =	simm.s32 $0x178  }
0x2f: {  	[spmem:s5] =	stream.indirect_vreg.scatter.add.s32 [tilespmem:s11], [sflag:$0x1], $0x1, v0, vm0, $0x4038;
	[tilespmem:$0x408] =	vst v63  }
0x30: {  	v0 =	vld.msk [tilespmem:s12+$0x0 ss:$0x1], $0xffff;
	_ =	sdelay $0x4  }
0x31: {  	v0 =	vmin.u32 v0, $0x80;
	_ =	sdelay $0x3  }
0x32: {  	s13 =	simm.s32 $0x378;
	s14 =	simm.s32 $0x188  }
0x33: {  	[spmem:s5] =	stream.indirect_vreg.scatter.add.s32 [tilespmem:s13], [sflag:$0x1], $0x1, v0, vm0, $0x4038;
	[tilespmem:$0x408] =	vst v63  }
0x34: {  	v0 =	vld.msk [tilespmem:s14+$0x0 ss:$0x1], $0xffff;
	_ =	sdelay $0x4  }
0x35: {  	v0 =	vmin.u32 v0, $0x80;
	_ =	sdelay $0x3  }
0x36: {  	s15 =	simm.s32 $0x388;
	s16 =	simm.s32 $0x198  }
0x37: {  	[spmem:s5] =	stream.indirect_vreg.scatter.add.s32 [tilespmem:s15], [sflag:$0x1], $0x1, v0, vm0, $0x4038;
	[tilespmem:$0x408] =	vst v63  }
0x38: {  	v0 =	vld.msk [tilespmem:s16+$0x0 ss:$0x1], $0xffff;
	_ =	sdelay $0x4  }
0x39: {  	v0 =	vmin.u32 v0, $0x80;
	_ =	sdelay $0x3  }
0x3a: {  	s17 =	simm.s32 $0x398;
	s18 =	simm.s32 $0x1A8  }
0x3b: {  	[spmem:s5] =	stream.indirect_vreg.scatter.add.s32 [tilespmem:s17], [sflag:$0x1], $0x1, v0, vm0, $0x4038;
	[tilespmem:$0x408] =	vst v63  }
0x3c: {  	v0 =	vld.msk [tilespmem:s18+$0x0 ss:$0x1], $0xffff;
	_ =	sdelay $0x4  }
0x3d: {  	v0 =	vmin.u32 v0, $0x80;
	_ =	sdelay $0x3  }
0x3e: {  	s19 =	simm.s32 $0x3A8;
	s20 =	simm.s32 $0x1B8  }
0x3f: {  	[spmem:s5] =	stream.indirect_vreg.scatter.add.s32 [tilespmem:s19], [sflag:$0x1], $0x1, v0, vm0, $0x4038;
	[tilespmem:$0x408] =	vst v63  }
0x40: {  	v0 =	vld.msk [tilespmem:s20+$0x0 ss:$0x1], $0xffff;
	_ =	sdelay $0x4  }
0x41: {  	v0 =	vmin.u32 v0, $0x80;
	_ =	sdelay $0x3  }
0x42: {  	s21 =	simm.s32 $0x3B8;
	s22 =	simm.s32 $0x1C8  }
0x43: {  	[spmem:s5] =	stream.indirect_vreg.scatter.add.s32 [tilespmem:s21], [sflag:$0x1], $0x1, v0, vm0, $0x4038;
	[tilespmem:$0x408] =	vst v63  }
0x44: {  	v0 =	vld.msk [tilespmem:s22+$0x0 ss:$0x1], $0xffff;
	_ =	sdelay $0x4  }
0x45: {  	v0 =	vmin.u32 v0, $0x80;
	_ =	sdelay $0x3  }
0x46: {  	s23 =	simm.s32 $0x3C8;
	s24 =	simm.s32 $0x1D8  }
0x47: {  	[spmem:s5] =	stream.indirect_vreg.scatter.add.s32 [tilespmem:s23], [sflag:$0x1], $0x1, v0, vm0, $0x4038;
	[tilespmem:$0x408] =	vst v63  }
0x48: {  	v0 =	vld.msk [tilespmem:s24+$0x0 ss:$0x1], $0xffff;
	_ =	sdelay $0x4  }
0x49: {  	v0 =	vmin.u32 v0, $0x80;
	_ =	sdelay $0x3  }
0x4a: {  	s25 =	simm.s32 $0x3D8;
	s26 =	simm.s32 $0x1E8  }
0x4b: {  	[spmem:s5] =	stream.indirect_vreg.scatter.add.s32 [tilespmem:s25], [sflag:$0x1], $0x1, v0, vm0, $0x4038;
	[tilespmem:$0x408] =	vst v63  }
0x4c: {  	v0 =	vld.msk [tilespmem:s26+$0x0 ss:$0x1], $0xffff;
	_ =	sdelay $0x4  }
0x4d: {  	v0 =	vmin.u32 v0, $0x80;
	_ =	sdelay $0x3  }
0x4e: {  	s28 =	simm.s32 $0x3E8;
	s29 =	simm.s32 $0x1F8  }
0x4f: {  	[spmem:s5] =	stream.indirect_vreg.scatter.add.s32 [tilespmem:s28], [sflag:$0x1], $0x1, v0, vm0, $0x4038;
	[tilespmem:$0x408] =	vst v63  }
0x50: {  	v0 =	vld.msk [tilespmem:s29+$0x0 ss:$0x1], $0xffff;
	_ =	sdelay $0x4  }
0x51: {  	v0 =	vmin.u32 v0, $0x80;
	_ =	sdelay $0x3  }
0x52: {  	s30 =	simm.s32 $0x3F8  }
0x53: {  	[spmem:s5] =	stream.indirect_vreg.scatter.add.s32 [tilespmem:s30], [sflag:$0x1], $0x1, v0, vm0, $0x4038;
	[tilespmem:$0x408] =	vst v63  }
0x54: {  	_ =	swait.ge [sflag:s3], $0x100  }
0x55: {  	[sflag:s3] =	ssyncset.done $0x0  }
0x56: {  	[sflag:s3] =	ssyncadd.s32 $0xFFFFFF00  }
0x57: {  	_ =	sfence.sel $0x180000  }
0x58: {  	[bflag:$0x0] =	sbarrier.arrive $0xFFFF  }
0x59: {  	[sflag:s4] =	ssyncpa.u1 $0x1  }
0x5a: {  	[sflag:s3] =	ssyncpa.u1 $0x1  }
0x5b: {  	_ =	sfence.stream.spmem  }
0x5c: {  	s31 =	simm.s32 $0x3D;
	[bflag:$0x0] =	sbarrier.arrive $0xFFFF  }
0x5d: {  	s3 =	simm.s32 @p0 $0x3D;
	[sflag:s31] =	ssyncpa.u1 $0x0  }
0x5e: {  	[sflag:s3] =	ssyncpa.u1 @p0 $0x1  }
0x5f: {  	[bflag:$0x0] =	sbarrier.arrive @p0 $0xFFFF  }
0x60: {  	_ =	strace @p0 $0x90000047  }
0x61: {  	s3 =	simm.s32 @!p0 $0x1C3D;
	[bflag:$0x2] =	sbarrier.arrive @p0 $0xFFFF  }
0x62: {  	[hbm:s1], [sflag:s3] =	dma.local @!p0 [spmem:s2], $0x10  }
0x63: {  	s1 =	simm.s32 @!p0 $0x3D  }
0x64: {  	_ =	swait.ge @!p0 [sflag:s1], $0x10  }
0x65: {  	[sflag:s1] =	ssyncset.done @!p0 $0x0  }
0x66: {  	[sflag:s1] =	ssyncadd.s32 @!p0 $0xFFFFFFF0  }
0x67: {  	[sflag:s1] =	ssyncpa.u1 @!p0 $0x1  }
0x68: {  	[bflag:$0x0] =	sbarrier.arrive @!p0 $0xFFFF  }
0x69: {  	_ =	strace @!p0 $0x90000047  }
0x6a: {  	s0 =	sadd.s32 @!p0 $0x100000, s0;
	[bflag:$0x2] =	sbarrier.arrive @!p0 $0xFFFF  }
0x6b: {  	[sflag:s0] =	ssyncadd.tile.s32 @!p0 $0x1;
	_ =	shalt  }
.Lfunc_end2:
_tile_overlayer_lowered:
.L_overlay_start_2:
0x6c: {  	(tag) =	ssettag $0x2  }
0x6d: {  	s0 =	rddreg [dreg:$0x0];
	s2 =	stileid.u32  }
0x6e: {  	s1 =	rddreg [dreg:$0x1];
	p0 =	sne.s32 s2, $0x0  }
0x6f: {  	s3 =	rddreg [dreg:$0x2];
	[bflag:$0x3] =	sbarrier.arrive $0xFFFF;
	s2 =	simm.s32 @!p0 $0x1C01  }
0x70: {  	[timem:s3], [sflag:s2] =	dma.local @!p0 [hbm:s0], s1  }
0x71: {  	s0 =	simm.s32 @!p0 $0x1  }
0x72: {  	_ =	swait.ge @!p0 [sflag:s0], s1  }
0x73: {  	s1 =	ssub.s32 @!p0 $0x0, s1;
	[sflag:s0] =	ssyncset.done @!p0 $0x0  }
0x74: {  	[sflag:s0] =	ssyncadd.s32 @!p0 s1  }
0x75: {  	[bflag:$0x3] =	sbarrier.arrive $0xFFFF  }
0x76: {  	_ =	shalt  }

</sc_bundles>
